<compile_context>
chip_gen: v7x
topology: tpu7x:2x2x1
jax: 0.10.2.dev20260603
libtpu: 0.0.44.dev20260713+nightly
codegen_flags: <defaults>
</compile_context>

<pallas_src>
import jax
import jax.numpy as jnp
from jax import lax
from jax.experimental import pallas as pl
from jax.experimental.pallas import tpu as pltpu
from jax.experimental.pallas import tpu_sc as plsc

_NC = 2
_NS = 16
_NW = _NC * _NS
_L = 16

_N_CELLS = 16384
_D = 64
_VOCAB = 100000
_RPW = _D // _NW
_ICHUNK = 4096
_NICHUNK = _N_CELLS // _ICHUNK


def _body(z_hbm, idx_hbm, table_hbm, out_hbm, row_v, acc_v, idx_a, idx_b,
          sems):
    wid = lax.axis_index("s") * _NC + lax.axis_index("c")

    idx_bufs = (idx_a, idx_b)
    outcp = None
    for r in range(_RPW):
        j = wid * _RPW + r
        rowcp = pltpu.async_copy(table_hbm.at[pl.ds(j, 1), :], row_v, sems[2])
        if outcp is not None:
            outcp.wait()
        zcp = pltpu.async_copy(z_hbm.at[pl.ds(j, 1), :], acc_v, sems[3])
        icp = pltpu.async_copy(idx_hbm.at[pl.ds(0, _ICHUNK)], idx_a, sems[0])
        rowcp.wait()
        zcp.wait()

        for ch in range(_NICHUNK):
            if ch + 1 < _NICHUNK:
                nxt = pltpu.async_copy(
                    idx_hbm.at[pl.ds((ch + 1) * _ICHUNK, _ICHUNK)],
                    idx_bufs[(ch + 1) % 2], sems[(ch + 1) % 2])
            icp.wait()
            buf = idx_bufs[ch % 2]
            base = ch * _ICHUNK

            def grp(g, carry, buf=buf, base=base):
                k = g * _L
                iv = buf[pl.ds(k, _L)]
                gathered = plsc.load_gather(
                    row_v, [jnp.zeros((_L,), jnp.int32), iv])
                plsc.addupdate(acc_v.at[0, pl.ds(base + k, _L)], gathered)
                return carry

            lax.fori_loop(0, _ICHUNK // _L, grp, 0, unroll=8)
            if ch + 1 < _NICHUNK:
                icp = nxt

        outcp = pltpu.async_copy(acc_v, out_hbm.at[pl.ds(j, 1), :], sems[3])
    outcp.wait()


@jax.jit
def kernel(z_bio, batch_ids, emb_weight):
    idx = batch_ids if batch_ids.dtype == jnp.int32 else batch_ids.astype(jnp.int32)
    zt = z_bio.T
    tt = emb_weight.T
    mesh = plsc.VectorSubcoreMesh(
        core_axis_name="c", subcore_axis_name="s",
        num_cores=_NC, num_subcores=_NS,
    )
    f = pl.kernel(
        _body,
        out_type=jax.ShapeDtypeStruct((_D, _N_CELLS), jnp.float32),
        mesh=mesh,
        scratch_types=[
            pltpu.VMEM((1, _VOCAB), jnp.float32),
            pltpu.VMEM((1, _N_CELLS), jnp.float32),
            pltpu.VMEM((_ICHUNK,), jnp.int32),
            pltpu.VMEM((_ICHUNK,), jnp.int32),
            [pltpu.SemaphoreType.DMA] * 4,
        ],
        compiler_params=pltpu.CompilerParams(
            use_tc_tiling_on_sc=True,
            skip_device_barrier=True,
            needs_layout_passes=False,
        ),
    )
    return f(zt, idx, tt).T

# --- scband reference (transcript-rebuilt; emitter-appended) ---
"""Pipeline reference for scband-batch-latent-3307124818457 (READ-ONLY COPY).

The authoritative reference and input builder live on the scoring server;
editing this copy changes nothing except your own understanding.
"""

import jax, jax.numpy as jnp
import numpy as np

N_BATCHES = 100000
LATENT_DIM = 64
N_CELLS = 16384


def setup_inputs(seed: int = 0) -> dict:
    key = jax.random.key(seed)
    k1, k2, k3 = jax.random.split(key, 3)
    z_bio = jax.random.normal(k1, (N_CELLS, LATENT_DIM), dtype=jnp.float32)
    batch_ids = jax.random.randint(k2, (N_CELLS,), 0, N_BATCHES, dtype=jnp.int64 if jax.config.jax_enable_x64 else jnp.int32)
    # Learned embedding table (initialized to zeros in the module, but use small
    # random values to emulate a trained parameter and keep the op non-trivial).
    emb_weight = jax.random.normal(k3, (N_BATCHES, LATENT_DIM), dtype=jnp.float32) * 0.02
    return {"z_bio": z_bio, "batch_ids": batch_ids, "emb_weight": emb_weight}


def reference(z_bio, batch_ids, emb_weight):
    # mode == 'additive': z_total = z_bio + embedding(batch_ids)
    z_batch = jnp.take(emb_weight, batch_ids, axis=0)
    z = z_bio + z_batch
    return z

if __name__ == "__main__":
    import jax
    _d = setup_inputs()
    print(jax.jit(kernel)(*tuple(_d.values())))

</pallas_src>

<mosaic_0001>
#map = affine_map<(d0, d1) -> (0, 0)>
#map1 = affine_map<(d0, d1) -> (0)>
module attributes {stable_mosaic.version = 14 : i64} {
  func.func @_body(%arg0: i32, %arg1: i32, %arg2: memref<64x16384xf32, #tpu.memory_space<hbm>>, %arg3: memref<16384xi32, #tpu.memory_space<hbm>>, %arg4: memref<64x100000xf32, #tpu.memory_space<hbm>>, %arg5: memref<64x16384xf32, #tpu.memory_space<hbm>>, %arg6: memref<1x100000xf32, #tpu.memory_space<vmem>>, %arg7: memref<1x16384xf32, #tpu.memory_space<vmem>>, %arg8: memref<4096xi32, #tpu.memory_space<vmem>>, %arg9: memref<4096xi32, #tpu.memory_space<vmem>>, %arg10: memref<!tpu.dma_semaphore, #tpu.memory_space<semaphore_mem>>, %arg11: memref<!tpu.dma_semaphore, #tpu.memory_space<semaphore_mem>>, %arg12: memref<!tpu.dma_semaphore, #tpu.memory_space<semaphore_mem>>, %arg13: memref<!tpu.dma_semaphore, #tpu.memory_space<semaphore_mem>>) attributes {dimension_semantics = [#tpu.dimension_semantics<core_parallel>, #tpu.dimension_semantics<subcore_parallel>], iteration_bounds = array<i64: 2, 16>, scalar_prefetch = 0 : i64, scratch_operands = 8 : i64, tpu.core_type = #tpu.core_type<sc_vector_subcore>, window_params = [{transform_indices = #map}, {transform_indices = #map1}, {transform_indices = #map}, {transform_indices = #map}]} {
    %mul3A = arith.constant 2 : i32
    %mul3A_0 = arith.muli %arg1, %mul3A : i32
    %add3A = arith.addi %mul3A_0, %arg0 : i32
    %mul3A_1 = arith.constant 2 : i32
    %mul3A_2 = arith.muli %add3A, %mul3A_1 : i32
    %add3A_3 = arith.constant 0 : i32
    %add3A_4 = arith.addi %mul3A_2, %add3A_3 : i32
    %dma_start3A = arith.constant 0 : i32
    %dma_start3A_5 = tpu.memref_slice %arg4[%add3A_4, %dma_start3A] : memref<64x100000xf32, #tpu.memory_space<hbm>> -> memref<1x100000xf32, #tpu.memory_space<hbm>>
    %dma_start3A_6 = arith.constant 0 : i32
    %dma_start3A_7 = tpu.memref_slice %arg4[%add3A_4, %dma_start3A_6] : memref<64x100000xf32, #tpu.memory_space<hbm>> -> memref<1x100000xf32, #tpu.memory_space<hbm>>
    tpu.enqueue_dma source(%dma_start3A_7 : memref<1x100000xf32, #tpu.memory_space<hbm>>) target(%arg6 : memref<1x100000xf32, #tpu.memory_space<vmem>>) target_semaphore(%arg12 : memref<!tpu.dma_semaphore, #tpu.memory_space<semaphore_mem>>)
    %dma_start3A_8 = arith.constant 0 : i32
    %dma_start3A_9 = tpu.memref_slice %arg2[%add3A_4, %dma_start3A_8] : memref<64x16384xf32, #tpu.memory_space<hbm>> -> memref<1x16384xf32, #tpu.memory_space<hbm>>
    %dma_start3A_10 = arith.constant 0 : i32
    %dma_start3A_11 = tpu.memref_slice %arg2[%add3A_4, %dma_start3A_10] : memref<64x16384xf32, #tpu.memory_space<hbm>> -> memref<1x16384xf32, #tpu.memory_space<hbm>>
    tpu.enqueue_dma source(%dma_start3A_11 : memref<1x16384xf32, #tpu.memory_space<hbm>>) target(%arg7 : memref<1x16384xf32, #tpu.memory_space<vmem>>) target_semaphore(%arg13 : memref<!tpu.dma_semaphore, #tpu.memory_space<semaphore_mem>>)
    %dma_start3A_12 = arith.constant 0 : i32
    %dma_start3A_13 = tpu.memref_slice %arg3[%dma_start3A_12] : memref<16384xi32, #tpu.memory_space<hbm>> -> memref<4096xi32, #tpu.memory_space<hbm>>
    %dma_start3A_14 = arith.constant 0 : i32
    %dma_start3A_15 = tpu.memref_slice %arg3[%dma_start3A_14] : memref<16384xi32, #tpu.memory_space<hbm>> -> memref<4096xi32, #tpu.memory_space<hbm>>
    tpu.enqueue_dma source(%dma_start3A_15 : memref<4096xi32, #tpu.memory_space<hbm>>) target(%arg8 : memref<4096xi32, #tpu.memory_space<vmem>>) target_semaphore(%arg10 : memref<!tpu.dma_semaphore, #tpu.memory_space<semaphore_mem>>)
    %dma_wait3A = arith.constant 0 : i32
    %dma_wait3A_16 = tpu.memref_slice %arg4[%add3A_4, %dma_wait3A] : memref<64x100000xf32, #tpu.memory_space<hbm>> -> memref<1x100000xf32, #tpu.memory_space<hbm>>
    %dma_wait3A_17 = arith.constant 0 : i32
    %dma_wait3A_18 = tpu.memref_slice %arg4[%add3A_4, %dma_wait3A_17] : memref<64x100000xf32, #tpu.memory_space<hbm>> -> memref<1x100000xf32, #tpu.memory_space<hbm>>
    tpu.wait_dma2 semaphore(%arg12 : memref<!tpu.dma_semaphore, #tpu.memory_space<semaphore_mem>>) src(%dma_wait3A_18 : memref<1x100000xf32, #tpu.memory_space<hbm>>) dst(%arg6 : memref<1x100000xf32, #tpu.memory_space<vmem>>)
    %dma_wait3A_19 = arith.constant 0 : i32
    %dma_wait3A_20 = tpu.memref_slice %arg2[%add3A_4, %dma_wait3A_19] : memref<64x16384xf32, #tpu.memory_space<hbm>> -> memref<1x16384xf32, #tpu.memory_space<hbm>>
    %dma_wait3A_21 = arith.constant 0 : i32
    %dma_wait3A_22 = tpu.memref_slice %arg2[%add3A_4, %dma_wait3A_21] : memref<64x16384xf32, #tpu.memory_space<hbm>> -> memref<1x16384xf32, #tpu.memory_space<hbm>>
    tpu.wait_dma2 semaphore(%arg13 : memref<!tpu.dma_semaphore, #tpu.memory_space<semaphore_mem>>) src(%dma_wait3A_22 : memref<1x16384xf32, #tpu.memory_space<hbm>>) dst(%arg7 : memref<1x16384xf32, #tpu.memory_space<vmem>>)
    %dma_start3A_23 = arith.constant 4096 : i32
    %dma_start3A_24 = tpu.memref_slice %arg3[%dma_start3A_23] : memref<16384xi32, #tpu.memory_space<hbm>> -> memref<4096xi32, #tpu.memory_space<hbm>>
    %dma_start3A_25 = arith.constant 4096 : i32
    %dma_start3A_26 = tpu.memref_slice %arg3[%dma_start3A_25] : memref<16384xi32, #tpu.memory_space<hbm>> -> memref<4096xi32, #tpu.memory_space<hbm>>
    tpu.enqueue_dma source(%dma_start3A_26 : memref<4096xi32, #tpu.memory_space<hbm>>) target(%arg9 : memref<4096xi32, #tpu.memory_space<vmem>>) target_semaphore(%arg11 : memref<!tpu.dma_semaphore, #tpu.memory_space<semaphore_mem>>)
    %dma_wait3A_27 = arith.constant 0 : i32
    %dma_wait3A_28 = tpu.memref_slice %arg3[%dma_wait3A_27] : memref<16384xi32, #tpu.memory_space<hbm>> -> memref<4096xi32, #tpu.memory_space<hbm>>
    %dma_wait3A_29 = arith.constant 0 : i32
    %dma_wait3A_30 = tpu.memref_slice %arg3[%dma_wait3A_29] : memref<16384xi32, #tpu.memory_space<hbm>> -> memref<4096xi32, #tpu.memory_space<hbm>>
    tpu.wait_dma2 semaphore(%arg10 : memref<!tpu.dma_semaphore, #tpu.memory_space<semaphore_mem>>) src(%dma_wait3A_30 : memref<4096xi32, #tpu.memory_space<hbm>>) dst(%arg8 : memref<4096xi32, #tpu.memory_space<vmem>>)
    %scan3A = arith.constant 0 : i32
    %scan3A_31 = arith.constant 0 : i32
    %scan3A_32 = arith.constant 256 : i32
    %scan3A_33 = arith.addi %scan3A_31, %scan3A_32 : i32
    %scan3A_34 = arith.constant 8 : i32
    scf.for %scan3A_166 = %scan3A_31 to %scan3A_33 step %scan3A_34  : i32 {
      %mul3A_167 = arith.constant 16 : i32
      %mul3A_168 = arith.muli %scan3A_166, %mul3A_167 : i32
      %get3A = arith.index_cast %mul3A_168 : i32 to index
      %get3A_169 = tpu.vector_load %arg8[%get3A] {strides = array<i32>} : memref<4096xi32, #tpu.memory_space<vmem>>, vector<16xi32>,
      %broadcast_in_dim3A = arith.constant 0 : i32
      %broadcast_in_dim3A_170 = vector.broadcast %broadcast_in_dim3A : i32 to vector<16xi32>
      %gather3A = tpu.vector_load_idx %arg6[%broadcast_in_dim3A_170, %get3A_169] : memref<1x100000xf32, #tpu.memory_space<vmem>>[vector<16xi32>, vector<16xi32>], vector<16xf32>,
      %add3A_171 = arith.constant 0 : i32
      %add3A_172 = arith.addi %add3A_171, %mul3A_168 : i32
      %swap3A = arith.constant 0 : i32
      %swap3A_173 = arith.index_cast %swap3A : i32 to index
      %swap3A_174 = arith.index_cast %add3A_172 : i32 to index
      %swap3A_175 = tpu.vector_load %arg7[%swap3A_173, %swap3A_174] {strides = array<i32>} : memref<1x16384xf32, #tpu.memory_space<vmem>>, vector<16xf32>,
      tpu.vector_store %arg7[%swap3A_173, %swap3A_174], %gather3A {add = true, strides = array<i32>} : memref<1x16384xf32, #tpu.memory_space<vmem>>, vector<16xf32>,
      %scan3A_176 = arith.constant 1 : i32
      %scan3A_177 = arith.addi %scan3A_166, %scan3A_176 : i32
      %mul3A_178 = arith.constant 16 : i32
      %mul3A_179 = arith.muli %scan3A_177, %mul3A_178 : i32
      %get3A_180 = arith.index_cast %mul3A_179 : i32 to index
      %get3A_181 = tpu.vector_load %arg8[%get3A_180] {strides = array<i32>} : memref<4096xi32, #tpu.memory_space<vmem>>, vector<16xi32>,
      %broadcast_in_dim3A_182 = arith.constant 0 : i32
      %broadcast_in_dim3A_183 = vector.broadcast %broadcast_in_dim3A_182 : i32 to vector<16xi32>
      %gather3A_184 = tpu.vector_load_idx %arg6[%broadcast_in_dim3A_183, %get3A_181] : memref<1x100000xf32, #tpu.memory_space<vmem>>[vector<16xi32>, vector<16xi32>], vector<16xf32>,
      %add3A_185 = arith.constant 0 : i32
      %add3A_186 = arith.addi %add3A_185, %mul3A_179 : i32
      %swap3A_187 = arith.constant 0 : i32
      %swap3A_188 = arith.index_cast %swap3A_187 : i32 to index
      %swap3A_189 = arith.index_cast %add3A_186 : i32 to index
      %swap3A_190 = tpu.vector_load %arg7[%swap3A_188, %swap3A_189] {strides = array<i32>} : memref<1x16384xf32, #tpu.memory_space<vmem>>, vector<16xf32>,
      tpu.vector_store %arg7[%swap3A_188, %swap3A_189], %gather3A_184 {add = true, strides = array<i32>} : memref<1x16384xf32, #tpu.memory_space<vmem>>, vector<16xf32>,
      %scan3A_191 = arith.constant 2 : i32
      %scan3A_192 = arith.addi %scan3A_166, %scan3A_191 : i32
      %mul3A_193 = arith.constant 16 : i32
      %mul3A_194 = arith.muli %scan3A_192, %mul3A_193 : i32
      %get3A_195 = arith.index_cast %mul3A_194 : i32 to index
      %get3A_196 = tpu.vector_load %arg8[%get3A_195] {strides = array<i32>} : memref<4096xi32, #tpu.memory_space<vmem>>, vector<16xi32>,
      %broadcast_in_dim3A_197 = arith.constant 0 : i32
      %broadcast_in_dim3A_198 = vector.broadcast %broadcast_in_dim3A_197 : i32 to vector<16xi32>
      %gather3A_199 = tpu.vector_load_idx %arg6[%broadcast_in_dim3A_198, %get3A_196] : memref<1x100000xf32, #tpu.memory_space<vmem>>[vector<16xi32>, vector<16xi32>], vector<16xf32>,
      %add3A_200 = arith.constant 0 : i32
      %add3A_201 = arith.addi %add3A_200, %mul3A_194 : i32
      %swap3A_202 = arith.constant 0 : i32
      %swap3A_203 = arith.index_cast %swap3A_202 : i32 to index
      %swap3A_204 = arith.index_cast %add3A_201 : i32 to index
      %swap3A_205 = tpu.vector_load %arg7[%swap3A_203, %swap3A_204] {strides = array<i32>} : memref<1x16384xf32, #tpu.memory_space<vmem>>, vector<16xf32>,
      tpu.vector_store %arg7[%swap3A_203, %swap3A_204], %gather3A_199 {add = true, strides = array<i32>} : memref<1x16384xf32, #tpu.memory_space<vmem>>, vector<16xf32>,
      %scan3A_206 = arith.constant 3 : i32
      %scan3A_207 = arith.addi %scan3A_166, %scan3A_206 : i32
      %mul3A_208 = arith.constant 16 : i32
      %mul3A_209 = arith.muli %scan3A_207, %mul3A_208 : i32
      %get3A_210 = arith.index_cast %mul3A_209 : i32 to index
      %get3A_211 = tpu.vector_load %arg8[%get3A_210] {strides = array<i32>} : memref<4096xi32, #tpu.memory_space<vmem>>, vector<16xi32>,
      %broadcast_in_dim3A_212 = arith.constant 0 : i32
      %broadcast_in_dim3A_213 = vector.broadcast %broadcast_in_dim3A_212 : i32 to vector<16xi32>
      %gather3A_214 = tpu.vector_load_idx %arg6[%broadcast_in_dim3A_213, %get3A_211] : memref<1x100000xf32, #tpu.memory_space<vmem>>[vector<16xi32>, vector<16xi32>], vector<16xf32>,
      %add3A_215 = arith.constant 0 : i32
      %add3A_216 = arith.addi %add3A_215, %mul3A_209 : i32
      %swap3A_217 = arith.constant 0 : i32
      %swap3A_218 = arith.index_cast %swap3A_217 : i32 to index
      %swap3A_219 = arith.index_cast %add3A_216 : i32 to index
      %swap3A_220 = tpu.vector_load %arg7[%swap3A_218, %swap3A_219] {strides = array<i32>} : memref<1x16384xf32, #tpu.memory_space<vmem>>, vector<16xf32>,
      tpu.vector_store %arg7[%swap3A_218, %swap3A_219], %gather3A_214 {add = true, strides = array<i32>} : memref<1x16384xf32, #tpu.memory_space<vmem>>, vector<16xf32>,
      %scan3A_221 = arith.constant 4 : i32
      %scan3A_222 = arith.addi %scan3A_166, %scan3A_221 : i32
      %mul3A_223 = arith.constant 16 : i32
      %mul3A_224 = arith.muli %scan3A_222, %mul3A_223 : i32
      %get3A_225 = arith.index_cast %mul3A_224 : i32 to index
      %get3A_226 = tpu.vector_load %arg8[%get3A_225] {strides = array<i32>} : memref<4096xi32, #tpu.memory_space<vmem>>, vector<16xi32>,
      %broadcast_in_dim3A_227 = arith.constant 0 : i32
      %broadcast_in_dim3A_228 = vector.broadcast %broadcast_in_dim3A_227 : i32 to vector<16xi32>
      %gather3A_229 = tpu.vector_load_idx %arg6[%broadcast_in_dim3A_228, %get3A_226] : memref<1x100000xf32, #tpu.memory_space<vmem>>[vector<16xi32>, vector<16xi32>], vector<16xf32>,
      %add3A_230 = arith.constant 0 : i32
      %add3A_231 = arith.addi %add3A_230, %mul3A_224 : i32
      %swap3A_232 = arith.constant 0 : i32
      %swap3A_233 = arith.index_cast %swap3A_232 : i32 to index
      %swap3A_234 = arith.index_cast %add3A_231 : i32 to index
      %swap3A_235 = tpu.vector_load %arg7[%swap3A_233, %swap3A_234] {strides = array<i32>} : memref<1x16384xf32, #tpu.memory_space<vmem>>, vector<16xf32>,
      tpu.vector_store %arg7[%swap3A_233, %swap3A_234], %gather3A_229 {add = true, strides = array<i32>} : memref<1x16384xf32, #tpu.memory_space<vmem>>, vector<16xf32>,
      %scan3A_236 = arith.constant 5 : i32
      %scan3A_237 = arith.addi %scan3A_166, %scan3A_236 : i32
      %mul3A_238 = arith.constant 16 : i32
      %mul3A_239 = arith.muli %scan3A_237, %mul3A_238 : i32
      %get3A_240 = arith.index_cast %mul3A_239 : i32 to index
      %get3A_241 = tpu.vector_load %arg8[%get3A_240] {strides = array<i32>} : memref<4096xi32, #tpu.memory_space<vmem>>, vector<16xi32>,
      %broadcast_in_dim3A_242 = arith.constant 0 : i32
      %broadcast_in_dim3A_243 = vector.broadcast %broadcast_in_dim3A_242 : i32 to vector<16xi32>
      %gather3A_244 = tpu.vector_load_idx %arg6[%broadcast_in_dim3A_243, %get3A_241] : memref<1x100000xf32, #tpu.memory_space<vmem>>[vector<16xi32>, vector<16xi32>], vector<16xf32>,
      %add3A_245 = arith.constant 0 : i32
      %add3A_246 = arith.addi %add3A_245, %mul3A_239 : i32
      %swap3A_247 = arith.constant 0 : i32
      %swap3A_248 = arith.index_cast %swap3A_247 : i32 to index
      %swap3A_249 = arith.index_cast %add3A_246 : i32 to index
      %swap3A_250 = tpu.vector_load %arg7[%swap3A_248, %swap3A_249] {strides = array<i32>} : memref<1x16384xf32, #tpu.memory_space<vmem>>, vector<16xf32>,
      tpu.vector_store %arg7[%swap3A_248, %swap3A_249], %gather3A_244 {add = true, strides = array<i32>} : memref<1x16384xf32, #tpu.memory_space<vmem>>, vector<16xf32>,
      %scan3A_251 = arith.constant 6 : i32
      %scan3A_252 = arith.addi %scan3A_166, %scan3A_251 : i32
      %mul3A_253 = arith.constant 16 : i32
      %mul3A_254 = arith.muli %scan3A_252, %mul3A_253 : i32
      %get3A_255 = arith.index_cast %mul3A_254 : i32 to index
      %get3A_256 = tpu.vector_load %arg8[%get3A_255] {strides = array<i32>} : memref<4096xi32, #tpu.memory_space<vmem>>, vector<16xi32>,
      %broadcast_in_dim3A_257 = arith.constant 0 : i32
      %broadcast_in_dim3A_258 = vector.broadcast %broadcast_in_dim3A_257 : i32 to vector<16xi32>
      %gather3A_259 = tpu.vector_load_idx %arg6[%broadcast_in_dim3A_258, %get3A_256] : memref<1x100000xf32, #tpu.memory_space<vmem>>[vector<16xi32>, vector<16xi32>], vector<16xf32>,
      %add3A_260 = arith.constant 0 : i32
      %add3A_261 = arith.addi %add3A_260, %mul3A_254 : i32
      %swap3A_262 = arith.constant 0 : i32
      %swap3A_263 = arith.index_cast %swap3A_262 : i32 to index
      %swap3A_264 = arith.index_cast %add3A_261 : i32 to index
      %swap3A_265 = tpu.vector_load %arg7[%swap3A_263, %swap3A_264] {strides = array<i32>} : memref<1x16384xf32, #tpu.memory_space<vmem>>, vector<16xf32>,
      tpu.vector_store %arg7[%swap3A_263, %swap3A_264], %gather3A_259 {add = true, strides = array<i32>} : memref<1x16384xf32, #tpu.memory_space<vmem>>, vector<16xf32>,
      %scan3A_266 = arith.constant 7 : i32
      %scan3A_267 = arith.addi %scan3A_166, %scan3A_266 : i32
      %mul3A_268 = arith.constant 16 : i32
      %mul3A_269 = arith.muli %scan3A_267, %mul3A_268 : i32
      %get3A_270 = arith.index_cast %mul3A_269 : i32 to index
      %get3A_271 = tpu.vector_load %arg8[%get3A_270] {strides = array<i32>} : memref<4096xi32, #tpu.memory_space<vmem>>, vector<16xi32>,
      %broadcast_in_dim3A_272 = arith.constant 0 : i32
      %broadcast_in_dim3A_273 = vector.broadcast %broadcast_in_dim3A_272 : i32 to vector<16xi32>
      %gather3A_274 = tpu.vector_load_idx %arg6[%broadcast_in_dim3A_273, %get3A_271] : memref<1x100000xf32, #tpu.memory_space<vmem>>[vector<16xi32>, vector<16xi32>], vector<16xf32>,
      %add3A_275 = arith.constant 0 : i32
      %add3A_276 = arith.addi %add3A_275, %mul3A_269 : i32
      %swap3A_277 = arith.constant 0 : i32
      %swap3A_278 = arith.index_cast %swap3A_277 : i32 to index
      %swap3A_279 = arith.index_cast %add3A_276 : i32 to index
      %swap3A_280 = tpu.vector_load %arg7[%swap3A_278, %swap3A_279] {strides = array<i32>} : memref<1x16384xf32, #tpu.memory_space<vmem>>, vector<16xf32>,
      tpu.vector_store %arg7[%swap3A_278, %swap3A_279], %gather3A_274 {add = true, strides = array<i32>} : memref<1x16384xf32, #tpu.memory_space<vmem>>, vector<16xf32>,
    }
    %scan3A_35 = arith.constant 256 : i32
    %dma_start3A_36 = arith.constant 8192 : i32
    %dma_start3A_37 = tpu.memref_slice %arg3[%dma_start3A_36] : memref<16384xi32, #tpu.memory_space<hbm>> -> memref<4096xi32, #tpu.memory_space<hbm>>
    %dma_start3A_38 = arith.constant 8192 : i32
    %dma_start3A_39 = tpu.memref_slice %arg3[%dma_start3A_38] : memref<16384xi32, #tpu.memory_space<hbm>> -> memref<4096xi32, #tpu.memory_space<hbm>>
    tpu.enqueue_dma source(%dma_start3A_39 : memref<4096xi32, #tpu.memory_space<hbm>>) target(%arg8 : memref<4096xi32, #tpu.memory_space<vmem>>) target_semaphore(%arg10 : memref<!tpu.dma_semaphore, #tpu.memory_space<semaphore_mem>>)
    %dma_wait3A_40 = arith.constant 4096 : i32
    %dma_wait3A_41 = tpu.memref_slice %arg3[%dma_wait3A_40] : memref<16384xi32, #tpu.memory_space<hbm>> -> memref<4096xi32, #tpu.memory_space<hbm>>
    %dma_wait3A_42 = arith.constant 4096 : i32
    %dma_wait3A_43 = tpu.memref_slice %arg3[%dma_wait3A_42] : memref<16384xi32, #tpu.memory_space<hbm>> -> memref<4096xi32, #tpu.memory_space<hbm>>
    tpu.wait_dma2 semaphore(%arg11 : memref<!tpu.dma_semaphore, #tpu.memory_space<semaphore_mem>>) src(%dma_wait3A_43 : memref<4096xi32, #tpu.memory_space<hbm>>) dst(%arg9 : memref<4096xi32, #tpu.memory_space<vmem>>)
    %scan3A_44 = arith.constant 0 : i32
    %scan3A_45 = arith.constant 0 : i32
    %scan3A_46 = arith.constant 256 : i32
    %scan3A_47 = arith.addi %scan3A_45, %scan3A_46 : i32
    %scan3A_48 = arith.constant 8 : i32
    scf.for %scan3A_166 = %scan3A_45 to %scan3A_47 step %scan3A_48  : i32 {
      %mul3A_167 = arith.constant 16 : i32
      %mul3A_168 = arith.muli %scan3A_166, %mul3A_167 : i32
      %get3A = arith.index_cast %mul3A_168 : i32 to index
      %get3A_169 = tpu.vector_load %arg9[%get3A] {strides = array<i32>} : memref<4096xi32, #tpu.memory_space<vmem>>, vector<16xi32>,
      %broadcast_in_dim3A = arith.constant 0 : i32
      %broadcast_in_dim3A_170 = vector.broadcast %broadcast_in_dim3A : i32 to vector<16xi32>
      %gather3A = tpu.vector_load_idx %arg6[%broadcast_in_dim3A_170, %get3A_169] : memref<1x100000xf32, #tpu.memory_space<vmem>>[vector<16xi32>, vector<16xi32>], vector<16xf32>,
      %add3A_171 = arith.constant 4096 : i32
      %add3A_172 = arith.addi %add3A_171, %mul3A_168 : i32
      %swap3A = arith.constant 0 : i32
      %swap3A_173 = arith.index_cast %swap3A : i32 to index
      %swap3A_174 = arith.index_cast %add3A_172 : i32 to index
      %swap3A_175 = tpu.vector_load %arg7[%swap3A_173, %swap3A_174] {strides = array<i32>} : memref<1x16384xf32, #tpu.memory_space<vmem>>, vector<16xf32>,
      tpu.vector_store %arg7[%swap3A_173, %swap3A_174], %gather3A {add = true, strides = array<i32>} : memref<1x16384xf32, #tpu.memory_space<vmem>>, vector<16xf32>,
      %scan3A_176 = arith.constant 1 : i32
      %scan3A_177 = arith.addi %scan3A_166, %scan3A_176 : i32
      %mul3A_178 = arith.constant 16 : i32
      %mul3A_179 = arith.muli %scan3A_177, %mul3A_178 : i32
      %get3A_180 = arith.index_cast %mul3A_179 : i32 to index
      %get3A_181 = tpu.vector_load %arg9[%get3A_180] {strides = array<i32>} : memref<4096xi32, #tpu.memory_space<vmem>>, vector<16xi32>,
      %broadcast_in_dim3A_182 = arith.constant 0 : i32
      %broadcast_in_dim3A_183 = vector.broadcast %broadcast_in_dim3A_182 : i32 to vector<16xi32>
      %gather3A_184 = tpu.vector_load_idx %arg6[%broadcast_in_dim3A_183, %get3A_181] : memref<1x100000xf32, #tpu.memory_space<vmem>>[vector<16xi32>, vector<16xi32>], vector<16xf32>,
      %add3A_185 = arith.constant 4096 : i32
      %add3A_186 = arith.addi %add3A_185, %mul3A_179 : i32
      %swap3A_187 = arith.constant 0 : i32
      %swap3A_188 = arith.index_cast %swap3A_187 : i32 to index
      %swap3A_189 = arith.index_cast %add3A_186 : i32 to index
      %swap3A_190 = tpu.vector_load %arg7[%swap3A_188, %swap3A_189] {strides = array<i32>} : memref<1x16384xf32, #tpu.memory_space<vmem>>, vector<16xf32>,
      tpu.vector_store %arg7[%swap3A_188, %swap3A_189], %gather3A_184 {add = true, strides = array<i32>} : memref<1x16384xf32, #tpu.memory_space<vmem>>, vector<16xf32>,
      %scan3A_191 = arith.constant 2 : i32
      %scan3A_192 = arith.addi %scan3A_166, %scan3A_191 : i32
      %mul3A_193 = arith.constant 16 : i32
      %mul3A_194 = arith.muli %scan3A_192, %mul3A_193 : i32
      %get3A_195 = arith.index_cast %mul3A_194 : i32 to index
      %get3A_196 = tpu.vector_load %arg9[%get3A_195] {strides = array<i32>} : memref<4096xi32, #tpu.memory_space<vmem>>, vector<16xi32>,
      %broadcast_in_dim3A_197 = arith.constant 0 : i32
      %broadcast_in_dim3A_198 = vector.broadcast %broadcast_in_dim3A_197 : i32 to vector<16xi32>
      %gather3A_199 = tpu.vector_load_idx %arg6[%broadcast_in_dim3A_198, %get3A_196] : memref<1x100000xf32, #tpu.memory_space<vmem>>[vector<16xi32>, vector<16xi32>], vector<16xf32>,
      %add3A_200 = arith.constant 4096 : i32
      %add3A_201 = arith.addi %add3A_200, %mul3A_194 : i32
      %swap3A_202 = arith.constant 0 : i32
      %swap3A_203 = arith.index_cast %swap3A_202 : i32 to index
      %swap3A_204 = arith.index_cast %add3A_201 : i32 to index
      %swap3A_205 = tpu.vector_load %arg7[%swap3A_203, %swap3A_204] {strides = array<i32>} : memref<1x16384xf32, #tpu.memory_space<vmem>>, vector<16xf32>,
      tpu.vector_store %arg7[%swap3A_203, %swap3A_204], %gather3A_199 {add = true, strides = array<i32>} : memref<1x16384xf32, #tpu.memory_space<vmem>>, vector<16xf32>,
      %scan3A_206 = arith.constant 3 : i32
      %scan3A_207 = arith.addi %scan3A_166, %scan3A_206 : i32
      %mul3A_208 = arith.constant 16 : i32
      %mul3A_209 = arith.muli %scan3A_207, %mul3A_208 : i32
      %get3A_210 = arith.index_cast %mul3A_209 : i32 to index
      %get3A_211 = tpu.vector_load %arg9[%get3A_210] {strides = array<i32>} : memref<4096xi32, #tpu.memory_space<vmem>>, vector<16xi32>,
      %broadcast_in_dim3A_212 = arith.constant 0 : i32
      %broadcast_in_dim3A_213 = vector.broadcast %broadcast_in_dim3A_212 : i32 to vector<16xi32>
      %gather3A_214 = tpu.vector_load_idx %arg6[%broadcast_in_dim3A_213, %get3A_211] : memref<1x100000xf32, #tpu.memory_space<vmem>>[vector<16xi32>, vector<16xi32>], vector<16xf32>,
      %add3A_215 = arith.constant 4096 : i32
      %add3A_216 = arith.addi %add3A_215, %mul3A_209 : i32
      %swap3A_217 = arith.constant 0 : i32
      %swap3A_218 = arith.index_cast %swap3A_217 : i32 to index
      %swap3A_219 = arith.index_cast %add3A_216 : i32 to index
      %swap3A_220 = tpu.vector_load %arg7[%swap3A_218, %swap3A_219] {strides = array<i32>} : memref<1x16384xf32, #tpu.memory_space<vmem>>, vector<16xf32>,
      tpu.vector_store %arg7[%swap3A_218, %swap3A_219], %gather3A_214 {add = true, strides = array<i32>} : memref<1x16384xf32, #tpu.memory_space<vmem>>, vector<16xf32>,
      %scan3A_221 = arith.constant 4 : i32
      %scan3A_222 = arith.addi %scan3A_166, %scan3A_221 : i32
      %mul3A_223 = arith.constant 16 : i32
      %mul3A_224 = arith.muli %scan3A_222, %mul3A_223 : i32
      %get3A_225 = arith.index_cast %mul3A_224 : i32 to index
      %get3A_226 = tpu.vector_load %arg9[%get3A_225] {strides = array<i32>} : memref<4096xi32, #tpu.memory_space<vmem>>, vector<16xi32>,
      %broadcast_in_dim3A_227 = arith.constant 0 : i32
      %broadcast_in_dim3A_228 = vector.broadcast %broadcast_in_dim3A_227 : i32 to vector<16xi32>
      %gather3A_229 = tpu.vector_load_idx %arg6[%broadcast_in_dim3A_228, %get3A_226] : memref<1x100000xf32, #tpu.memory_space<vmem>>[vector<16xi32>, vector<16xi32>], vector<16xf32>,
      %add3A_230 = arith.constant 4096 : i32
      %add3A_231 = arith.addi %add3A_230, %mul3A_224 : i32
      %swap3A_232 = arith.constant 0 : i32
      %swap3A_233 = arith.index_cast %swap3A_232 : i32 to index
      %swap3A_234 = arith.index_cast %add3A_231 : i32 to index
      %swap3A_235 = tpu.vector_load %arg7[%swap3A_233, %swap3A_234] {strides = array<i32>} : memref<1x16384xf32, #tpu.memory_space<vmem>>, vector<16xf32>,
      tpu.vector_store %arg7[%swap3A_233, %swap3A_234], %gather3A_229 {add = true, strides = array<i32>} : memref<1x16384xf32, #tpu.memory_space<vmem>>, vector<16xf32>,
      %scan3A_236 = arith.constant 5 : i32
      %scan3A_237 = arith.addi %scan3A_166, %scan3A_236 : i32
      %mul3A_238 = arith.constant 16 : i32
      %mul3A_239 = arith.muli %scan3A_237, %mul3A_238 : i32
      %get3A_240 = arith.index_cast %mul3A_239 : i32 to index
      %get3A_241 = tpu.vector_load %arg9[%get3A_240] {strides = array<i32>} : memref<4096xi32, #tpu.memory_space<vmem>>, vector<16xi32>,
      %broadcast_in_dim3A_242 = arith.constant 0 : i32
      %broadcast_in_dim3A_243 = vector.broadcast %broadcast_in_dim3A_242 : i32 to vector<16xi32>
      %gather3A_244 = tpu.vector_load_idx %arg6[%broadcast_in_dim3A_243, %get3A_241] : memref<1x100000xf32, #tpu.memory_space<vmem>>[vector<16xi32>, vector<16xi32>], vector<16xf32>,
      %add3A_245 = arith.constant 4096 : i32
      %add3A_246 = arith.addi %add3A_245, %mul3A_239 : i32
      %swap3A_247 = arith.constant 0 : i32
      %swap3A_248 = arith.index_cast %swap3A_247 : i32 to index
      %swap3A_249 = arith.index_cast %add3A_246 : i32 to index
      %swap3A_250 = tpu.vector_load %arg7[%swap3A_248, %swap3A_249] {strides = array<i32>} : memref<1x16384xf32, #tpu.memory_space<vmem>>, vector<16xf32>,
      tpu.vector_store %arg7[%swap3A_248, %swap3A_249], %gather3A_244 {add = true, strides = array<i32>} : memref<1x16384xf32, #tpu.memory_space<vmem>>, vector<16xf32>,
      %scan3A_251 = arith.constant 6 : i32
      %scan3A_252 = arith.addi %scan3A_166, %scan3A_251 : i32
      %mul3A_253 = arith.constant 16 : i32
      %mul3A_254 = arith.muli %scan3A_252, %mul3A_253 : i32
      %get3A_255 = arith.index_cast %mul3A_254 : i32 to index
      %get3A_256 = tpu.vector_load %arg9[%get3A_255] {strides = array<i32>} : memref<4096xi32, #tpu.memory_space<vmem>>, vector<16xi32>,
      %broadcast_in_dim3A_257 = arith.constant 0 : i32
      %broadcast_in_dim3A_258 = vector.broadcast %broadcast_in_dim3A_257 : i32 to vector<16xi32>
      %gather3A_259 = tpu.vector_load_idx %arg6[%broadcast_in_dim3A_258, %get3A_256] : memref<1x100000xf32, #tpu.memory_space<vmem>>[vector<16xi32>, vector<16xi32>], vector<16xf32>,
      %add3A_260 = arith.constant 4096 : i32
      %add3A_261 = arith.addi %add3A_260, %mul3A_254 : i32
      %swap3A_262 = arith.constant 0 : i32
      %swap3A_263 = arith.index_cast %swap3A_262 : i32 to index
      %swap3A_264 = arith.index_cast %add3A_261 : i32 to index
      %swap3A_265 = tpu.vector_load %arg7[%swap3A_263, %swap3A_264] {strides = array<i32>} : memref<1x16384xf32, #tpu.memory_space<vmem>>, vector<16xf32>,
      tpu.vector_store %arg7[%swap3A_263, %swap3A_264], %gather3A_259 {add = true, strides = array<i32>} : memref<1x16384xf32, #tpu.memory_space<vmem>>, vector<16xf32>,
      %scan3A_266 = arith.constant 7 : i32
      %scan3A_267 = arith.addi %scan3A_166, %scan3A_266 : i32
      %mul3A_268 = arith.constant 16 : i32
      %mul3A_269 = arith.muli %scan3A_267, %mul3A_268 : i32
      %get3A_270 = arith.index_cast %mul3A_269 : i32 to index
      %get3A_271 = tpu.vector_load %arg9[%get3A_270] {strides = array<i32>} : memref<4096xi32, #tpu.memory_space<vmem>>, vector<16xi32>,
      %broadcast_in_dim3A_272 = arith.constant 0 : i32
      %broadcast_in_dim3A_273 = vector.broadcast %broadcast_in_dim3A_272 : i32 to vector<16xi32>
      %gather3A_274 = tpu.vector_load_idx %arg6[%broadcast_in_dim3A_273, %get3A_271] : memref<1x100000xf32, #tpu.memory_space<vmem>>[vector<16xi32>, vector<16xi32>], vector<16xf32>,
      %add3A_275 = arith.constant 4096 : i32
      %add3A_276 = arith.addi %add3A_275, %mul3A_269 : i32
      %swap3A_277 = arith.constant 0 : i32
      %swap3A_278 = arith.index_cast %swap3A_277 : i32 to index
      %swap3A_279 = arith.index_cast %add3A_276 : i32 to index
      %swap3A_280 = tpu.vector_load %arg7[%swap3A_278, %swap3A_279] {strides = array<i32>} : memref<1x16384xf32, #tpu.memory_space<vmem>>, vector<16xf32>,
      tpu.vector_store %arg7[%swap3A_278, %swap3A_279], %gather3A_274 {add = true, strides = array<i32>} : memref<1x16384xf32, #tpu.memory_space<vmem>>, vector<16xf32>,
    }
    %scan3A_49 = arith.constant 256 : i32
    %dma_start3A_50 = arith.constant 12288 : i32
    %dma_start3A_51 = tpu.memref_slice %arg3[%dma_start3A_50] : memref<16384xi32, #tpu.memory_space<hbm>> -> memref<4096xi32, #tpu.memory_space<hbm>>
    %dma_start3A_52 = arith.constant 12288 : i32
    %dma_start3A_53 = tpu.memref_slice %arg3[%dma_start3A_52] : memref<16384xi32, #tpu.memory_space<hbm>> -> memref<4096xi32, #tpu.memory_space<hbm>>
    tpu.enqueue_dma source(%dma_start3A_53 : memref<4096xi32, #tpu.memory_space<hbm>>) target(%arg9 : memref<4096xi32, #tpu.memory_space<vmem>>) target_semaphore(%arg11 : memref<!tpu.dma_semaphore, #tpu.memory_space<semaphore_mem>>)
    %dma_wait3A_54 = arith.constant 8192 : i32
    %dma_wait3A_55 = tpu.memref_slice %arg3[%dma_wait3A_54] : memref<16384xi32, #tpu.memory_space<hbm>> -> memref<4096xi32, #tpu.memory_space<hbm>>
    %dma_wait3A_56 = arith.constant 8192 : i32
    %dma_wait3A_57 = tpu.memref_slice %arg3[%dma_wait3A_56] : memref<16384xi32, #tpu.memory_space<hbm>> -> memref<4096xi32, #tpu.memory_space<hbm>>
    tpu.wait_dma2 semaphore(%arg10 : memref<!tpu.dma_semaphore, #tpu.memory_space<semaphore_mem>>) src(%dma_wait3A_57 : memref<4096xi32, #tpu.memory_space<hbm>>) dst(%arg8 : memref<4096xi32, #tpu.memory_space<vmem>>)
    %scan3A_58 = arith.constant 0 : i32
    %scan3A_59 = arith.constant 0 : i32
    %scan3A_60 = arith.constant 256 : i32
    %scan3A_61 = arith.addi %scan3A_59, %scan3A_60 : i32
    %scan3A_62 = arith.constant 8 : i32
    scf.for %scan3A_166 = %scan3A_59 to %scan3A_61 step %scan3A_62  : i32 {
      %mul3A_167 = arith.constant 16 : i32
      %mul3A_168 = arith.muli %scan3A_166, %mul3A_167 : i32
      %get3A = arith.index_cast %mul3A_168 : i32 to index
      %get3A_169 = tpu.vector_load %arg8[%get3A] {strides = array<i32>} : memref<4096xi32, #tpu.memory_space<vmem>>, vector<16xi32>,
      %broadcast_in_dim3A = arith.constant 0 : i32
      %broadcast_in_dim3A_170 = vector.broadcast %broadcast_in_dim3A : i32 to vector<16xi32>
      %gather3A = tpu.vector_load_idx %arg6[%broadcast_in_dim3A_170, %get3A_169] : memref<1x100000xf32, #tpu.memory_space<vmem>>[vector<16xi32>, vector<16xi32>], vector<16xf32>,
      %add3A_171 = arith.constant 8192 : i32
      %add3A_172 = arith.addi %add3A_171, %mul3A_168 : i32
      %swap3A = arith.constant 0 : i32
      %swap3A_173 = arith.index_cast %swap3A : i32 to index
      %swap3A_174 = arith.index_cast %add3A_172 : i32 to index
      %swap3A_175 = tpu.vector_load %arg7[%swap3A_173, %swap3A_174] {strides = array<i32>} : memref<1x16384xf32, #tpu.memory_space<vmem>>, vector<16xf32>,
      tpu.vector_store %arg7[%swap3A_173, %swap3A_174], %gather3A {add = true, strides = array<i32>} : memref<1x16384xf32, #tpu.memory_space<vmem>>, vector<16xf32>,
      %scan3A_176 = arith.constant 1 : i32
      %scan3A_177 = arith.addi %scan3A_166, %scan3A_176 : i32
      %mul3A_178 = arith.constant 16 : i32
      %mul3A_179 = arith.muli %scan3A_177, %mul3A_178 : i32
      %get3A_180 = arith.index_cast %mul3A_179 : i32 to index
      %get3A_181 = tpu.vector_load %arg8[%get3A_180] {strides = array<i32>} : memref<4096xi32, #tpu.memory_space<vmem>>, vector<16xi32>,
      %broadcast_in_dim3A_182 = arith.constant 0 : i32
      %broadcast_in_dim3A_183 = vector.broadcast %broadcast_in_dim3A_182 : i32 to vector<16xi32>
      %gather3A_184 = tpu.vector_load_idx %arg6[%broadcast_in_dim3A_183, %get3A_181] : memref<1x100000xf32, #tpu.memory_space<vmem>>[vector<16xi32>, vector<16xi32>], vector<16xf32>,
      %add3A_185 = arith.constant 8192 : i32
      %add3A_186 = arith.addi %add3A_185, %mul3A_179 : i32
      %swap3A_187 = arith.constant 0 : i32
      %swap3A_188 = arith.index_cast %swap3A_187 : i32 to index
      %swap3A_189 = arith.index_cast %add3A_186 : i32 to index
      %swap3A_190 = tpu.vector_load %arg7[%swap3A_188, %swap3A_189] {strides = array<i32>} : memref<1x16384xf32, #tpu.memory_space<vmem>>, vector<16xf32>,
      tpu.vector_store %arg7[%swap3A_188, %swap3A_189], %gather3A_184 {add = true, strides = array<i32>} : memref<1x16384xf32, #tpu.memory_space<vmem>>, vector<16xf32>,
      %scan3A_191 = arith.constant 2 : i32
      %scan3A_192 = arith.addi %scan3A_166, %scan3A_191 : i32
      %mul3A_193 = arith.constant 16 : i32
      %mul3A_194 = arith.muli %scan3A_192, %mul3A_193 : i32
      %get3A_195 = arith.index_cast %mul3A_194 : i32 to index
      %get3A_196 = tpu.vector_load %arg8[%get3A_195] {strides = array<i32>} : memref<4096xi32, #tpu.memory_space<vmem>>, vector<16xi32>,
      %broadcast_in_dim3A_197 = arith.constant 0 : i32
      %broadcast_in_dim3A_198 = vector.broadcast %broadcast_in_dim3A_197 : i32 to vector<16xi32>
      %gather3A_199 = tpu.vector_load_idx %arg6[%broadcast_in_dim3A_198, %get3A_196] : memref<1x100000xf32, #tpu.memory_space<vmem>>[vector<16xi32>, vector<16xi32>], vector<16xf32>,
      %add3A_200 = arith.constant 8192 : i32
      %add3A_201 = arith.addi %add3A_200, %mul3A_194 : i32
      %swap3A_202 = arith.constant 0 : i32
      %swap3A_203 = arith.index_cast %swap3A_202 : i32 to index
      %swap3A_204 = arith.index_cast %add3A_201 : i32 to index
      %swap3A_205 = tpu.vector_load %arg7[%swap3A_203, %swap3A_204] {strides = array<i32>} : memref<1x16384xf32, #tpu.memory_space<vmem>>, vector<16xf32>,
      tpu.vector_store %arg7[%swap3A_203, %swap3A_204], %gather3A_199 {add = true, strides = array<i32>} : memref<1x16384xf32, #tpu.memory_space<vmem>>, vector<16xf32>,
      %scan3A_206 = arith.constant 3 : i32
      %scan3A_207 = arith.addi %scan3A_166, %scan3A_206 : i32
      %mul3A_208 = arith.constant 16 : i32
      %mul3A_209 = arith.muli %scan3A_207, %mul3A_208 : i32
      %get3A_210 = arith.index_cast %mul3A_209 : i32 to index
      %get3A_211 = tpu.vector_load %arg8[%get3A_210] {strides = array<i32>} : memref<4096xi32, #tpu.memory_space<vmem>>, vector<16xi32>,
      %broadcast_in_dim3A_212 = arith.constant 0 : i32
      %broadcast_in_dim3A_213 = vector.broadcast %broadcast_in_dim3A_212 : i32 to vector<16xi32>
      %gather3A_214 = tpu.vector_load_idx %arg6[%broadcast_in_dim3A_213, %get3A_211] : memref<1x100000xf32, #tpu.memory_space<vmem>>[vector<16xi32>, vector<16xi32>], vector<16xf32>,
      %add3A_215 = arith.constant 8192 : i32
      %add3A_216 = arith.addi %add3A_215, %mul3A_209 : i32
      %swap3A_217 = arith.constant 0 : i32
      %swap3A_218 = arith.index_cast %swap3A_217 : i32 to index
      %swap3A_219 = arith.index_cast %add3A_216 : i32 to index
      %swap3A_220 = tpu.vector_load %arg7[%swap3A_218, %swap3A_219] {strides = array<i32>} : memref<1x16384xf32, #tpu.memory_space<vmem>>, vector<16xf32>,
      tpu.vector_store %arg7[%swap3A_218, %swap3A_219], %gather3A_214 {add = true, strides = array<i32>} : memref<1x16384xf32, #tpu.memory_space<vmem>>, vector<16xf32>,
      %scan3A_221 = arith.constant 4 : i32
      %scan3A_222 = arith.addi %scan3A_166, %scan3A_221 : i32
      %mul3A_223 = arith.constant 16 : i32
      %mul3A_224 = arith.muli %scan3A_222, %mul3A_223 : i32
      %get3A_225 = arith.index_cast %mul3A_224 : i32 to index
      %get3A_226 = tpu.vector_load %arg8[%get3A_225] {strides = array<i32>} : memref<4096xi32, #tpu.memory_space<vmem>>, vector<16xi32>,
      %broadcast_in_dim3A_227 = arith.constant 0 : i32
      %broadcast_in_dim3A_228 = vector.broadcast %broadcast_in_dim3A_227 : i32 to vector<16xi32>
      %gather3A_229 = tpu.vector_load_idx %arg6[%broadcast_in_dim3A_228, %get3A_226] : memref<1x100000xf32, #tpu.memory_space<vmem>>[vector<16xi32>, vector<16xi32>], vector<16xf32>,
      %add3A_230 = arith.constant 8192 : i32
      %add3A_231 = arith.addi %add3A_230, %mul3A_224 : i32
      %swap3A_232 = arith.constant 0 : i32
      %swap3A_233 = arith.index_cast %swap3A_232 : i32 to index
      %swap3A_234 = arith.index_cast %add3A_231 : i32 to index
      %swap3A_235 = tpu.vector_load %arg7[%swap3A_233, %swap3A_234] {strides = array<i32>} : memref<1x16384xf32, #tpu.memory_space<vmem>>, vector<16xf32>,
      tpu.vector_store %arg7[%swap3A_233, %swap3A_234], %gather3A_229 {add = true, strides = array<i32>} : memref<1x16384xf32, #tpu.memory_space<vmem>>, vector<16xf32>,
      %scan3A_236 = arith.constant 5 : i32
      %scan3A_237 = arith.addi %scan3A_166, %scan3A_236 : i32
      %mul3A_238 = arith.constant 16 : i32
      %mul3A_239 = arith.muli %scan3A_237, %mul3A_238 : i32
      %get3A_240 = arith.index_cast %mul3A_239 : i32 to index
      %get3A_241 = tpu.vector_load %arg8[%get3A_240] {strides = array<i32>} : memref<4096xi32, #tpu.memory_space<vmem>>, vector<16xi32>,
      %broadcast_in_dim3A_242 = arith.constant 0 : i32
      %broadcast_in_dim3A_243 = vector.broadcast %broadcast_in_dim3A_242 : i32 to vector<16xi32>
      %gather3A_244 = tpu.vector_load_idx %arg6[%broadcast_in_dim3A_243, %get3A_241] : memref<1x100000xf32, #tpu.memory_space<vmem>>[vector<16xi32>, vector<16xi32>], vector<16xf32>,
      %add3A_245 = arith.constant 8192 : i32
      %add3A_246 = arith.addi %add3A_245, %mul3A_239 : i32
      %swap3A_247 = arith.constant 0 : i32
      %swap3A_248 = arith.index_cast %swap3A_247 : i32 to index
      %swap3A_249 = arith.index_cast %add3A_246 : i32 to index
      %swap3A_250 = tpu.vector_load %arg7[%swap3A_248, %swap3A_249] {strides = array<i32>} : memref<1x16384xf32, #tpu.memory_space<vmem>>, vector<16xf32>,
      tpu.vector_store %arg7[%swap3A_248, %swap3A_249], %gather3A_244 {add = true, strides = array<i32>} : memref<1x16384xf32, #tpu.memory_space<vmem>>, vector<16xf32>,
      %scan3A_251 = arith.constant 6 : i32
      %scan3A_252 = arith.addi %scan3A_166, %scan3A_251 : i32
      %mul3A_253 = arith.constant 16 : i32
      %mul3A_254 = arith.muli %scan3A_252, %mul3A_253 : i32
      %get3A_255 = arith.index_cast %mul3A_254 : i32 to index
      %get3A_256 = tpu.vector_load %arg8[%get3A_255] {strides = array<i32>} : memref<4096xi32, #tpu.memory_space<vmem>>, vector<16xi32>,
      %broadcast_in_dim3A_257 = arith.constant 0 : i32
      %broadcast_in_dim3A_258 = vector.broadcast %broadcast_in_dim3A_257 : i32 to vector<16xi32>
      %gather3A_259 = tpu.vector_load_idx %arg6[%broadcast_in_dim3A_258, %get3A_256] : memref<1x100000xf32, #tpu.memory_space<vmem>>[vector<16xi32>, vector<16xi32>], vector<16xf32>,
      %add3A_260 = arith.constant 8192 : i32
      %add3A_261 = arith.addi %add3A_260, %mul3A_254 : i32
      %swap3A_262 = arith.constant 0 : i32
      %swap3A_263 = arith.index_cast %swap3A_262 : i32 to index
      %swap3A_264 = arith.index_cast %add3A_261 : i32 to index
      %swap3A_265 = tpu.vector_load %arg7[%swap3A_263, %swap3A_264] {strides = array<i32>} : memref<1x16384xf32, #tpu.memory_space<vmem>>, vector<16xf32>,
      tpu.vector_store %arg7[%swap3A_263, %swap3A_264], %gather3A_259 {add = true, strides = array<i32>} : memref<1x16384xf32, #tpu.memory_space<vmem>>, vector<16xf32>,
      %scan3A_266 = arith.constant 7 : i32
      %scan3A_267 = arith.addi %scan3A_166, %scan3A_266 : i32
      %mul3A_268 = arith.constant 16 : i32
      %mul3A_269 = arith.muli %scan3A_267, %mul3A_268 : i32
      %get3A_270 = arith.index_cast %mul3A_269 : i32 to index
      %get3A_271 = tpu.vector_load %arg8[%get3A_270] {strides = array<i32>} : memref<4096xi32, #tpu.memory_space<vmem>>, vector<16xi32>,
      %broadcast_in_dim3A_272 = arith.constant 0 : i32
      %broadcast_in_dim3A_273 = vector.broadcast %broadcast_in_dim3A_272 : i32 to vector<16xi32>
      %gather3A_274 = tpu.vector_load_idx %arg6[%broadcast_in_dim3A_273, %get3A_271] : memref<1x100000xf32, #tpu.memory_space<vmem>>[vector<16xi32>, vector<16xi32>], vector<16xf32>,
      %add3A_275 = arith.constant 8192 : i32
      %add3A_276 = arith.addi %add3A_275, %mul3A_269 : i32
      %swap3A_277 = arith.constant 0 : i32
      %swap3A_278 = arith.index_cast %swap3A_277 : i32 to index
      %swap3A_279 = arith.index_cast %add3A_276 : i32 to index
      %swap3A_280 = tpu.vector_load %arg7[%swap3A_278, %swap3A_279] {strides = array<i32>} : memref<1x16384xf32, #tpu.memory_space<vmem>>, vector<16xf32>,
      tpu.vector_store %arg7[%swap3A_278, %swap3A_279], %gather3A_274 {add = true, strides = array<i32>} : memref<1x16384xf32, #tpu.memory_space<vmem>>, vector<16xf32>,
    }
    %scan3A_63 = arith.constant 256 : i32
    %dma_wait3A_64 = arith.constant 12288 : i32
    %dma_wait3A_65 = tpu.memref_slice %arg3[%dma_wait3A_64] : memref<16384xi32, #tpu.memory_space<hbm>> -> memref<4096xi32, #tpu.memory_space<hbm>>
    %dma_wait3A_66 = arith.constant 12288 : i32
    %dma_wait3A_67 = tpu.memref_slice %arg3[%dma_wait3A_66] : memref<16384xi32, #tpu.memory_space<hbm>> -> memref<4096xi32, #tpu.memory_space<hbm>>
    tpu.wait_dma2 semaphore(%arg11 : memref<!tpu.dma_semaphore, #tpu.memory_space<semaphore_mem>>) src(%dma_wait3A_67 : memref<4096xi32, #tpu.memory_space<hbm>>) dst(%arg9 : memref<4096xi32, #tpu.memory_space<vmem>>)
    %scan3A_68 = arith.constant 0 : i32
    %scan3A_69 = arith.constant 0 : i32
    %scan3A_70 = arith.constant 256 : i32
    %scan3A_71 = arith.addi %scan3A_69, %scan3A_70 : i32
    %scan3A_72 = arith.constant 8 : i32
    scf.for %scan3A_166 = %scan3A_69 to %scan3A_71 step %scan3A_72  : i32 {
      %mul3A_167 = arith.constant 16 : i32
      %mul3A_168 = arith.muli %scan3A_166, %mul3A_167 : i32
      %get3A = arith.index_cast %mul3A_168 : i32 to index
      %get3A_169 = tpu.vector_load %arg9[%get3A] {strides = array<i32>} : memref<4096xi32, #tpu.memory_space<vmem>>, vector<16xi32>,
      %broadcast_in_dim3A = arith.constant 0 : i32
      %broadcast_in_dim3A_170 = vector.broadcast %broadcast_in_dim3A : i32 to vector<16xi32>
      %gather3A = tpu.vector_load_idx %arg6[%broadcast_in_dim3A_170, %get3A_169] : memref<1x100000xf32, #tpu.memory_space<vmem>>[vector<16xi32>, vector<16xi32>], vector<16xf32>,
      %add3A_171 = arith.constant 12288 : i32
      %add3A_172 = arith.addi %add3A_171, %mul3A_168 : i32
      %swap3A = arith.constant 0 : i32
      %swap3A_173 = arith.index_cast %swap3A : i32 to index
      %swap3A_174 = arith.index_cast %add3A_172 : i32 to index
      %swap3A_175 = tpu.vector_load %arg7[%swap3A_173, %swap3A_174] {strides = array<i32>} : memref<1x16384xf32, #tpu.memory_space<vmem>>, vector<16xf32>,
      tpu.vector_store %arg7[%swap3A_173, %swap3A_174], %gather3A {add = true, strides = array<i32>} : memref<1x16384xf32, #tpu.memory_space<vmem>>, vector<16xf32>,
      %scan3A_176 = arith.constant 1 : i32
      %scan3A_177 = arith.addi %scan3A_166, %scan3A_176 : i32
      %mul3A_178 = arith.constant 16 : i32
      %mul3A_179 = arith.muli %scan3A_177, %mul3A_178 : i32
      %get3A_180 = arith.index_cast %mul3A_179 : i32 to index
      %get3A_181 = tpu.vector_load %arg9[%get3A_180] {strides = array<i32>} : memref<4096xi32, #tpu.memory_space<vmem>>, vector<16xi32>,
      %broadcast_in_dim3A_182 = arith.constant 0 : i32
      %broadcast_in_dim3A_183 = vector.broadcast %broadcast_in_dim3A_182 : i32 to vector<16xi32>
      %gather3A_184 = tpu.vector_load_idx %arg6[%broadcast_in_dim3A_183, %get3A_181] : memref<1x100000xf32, #tpu.memory_space<vmem>>[vector<16xi32>, vector<16xi32>], vector<16xf32>,
      %add3A_185 = arith.constant 12288 : i32
      %add3A_186 = arith.addi %add3A_185, %mul3A_179 : i32
      %swap3A_187 = arith.constant 0 : i32
      %swap3A_188 = arith.index_cast %swap3A_187 : i32 to index
      %swap3A_189 = arith.index_cast %add3A_186 : i32 to index
      %swap3A_190 = tpu.vector_load %arg7[%swap3A_188, %swap3A_189] {strides = array<i32>} : memref<1x16384xf32, #tpu.memory_space<vmem>>, vector<16xf32>,
      tpu.vector_store %arg7[%swap3A_188, %swap3A_189], %gather3A_184 {add = true, strides = array<i32>} : memref<1x16384xf32, #tpu.memory_space<vmem>>, vector<16xf32>,
      %scan3A_191 = arith.constant 2 : i32
      %scan3A_192 = arith.addi %scan3A_166, %scan3A_191 : i32
      %mul3A_193 = arith.constant 16 : i32
      %mul3A_194 = arith.muli %scan3A_192, %mul3A_193 : i32
      %get3A_195 = arith.index_cast %mul3A_194 : i32 to index
      %get3A_196 = tpu.vector_load %arg9[%get3A_195] {strides = array<i32>} : memref<4096xi32, #tpu.memory_space<vmem>>, vector<16xi32>,
      %broadcast_in_dim3A_197 = arith.constant 0 : i32
      %broadcast_in_dim3A_198 = vector.broadcast %broadcast_in_dim3A_197 : i32 to vector<16xi32>
      %gather3A_199 = tpu.vector_load_idx %arg6[%broadcast_in_dim3A_198, %get3A_196] : memref<1x100000xf32, #tpu.memory_space<vmem>>[vector<16xi32>, vector<16xi32>], vector<16xf32>,
      %add3A_200 = arith.constant 12288 : i32
      %add3A_201 = arith.addi %add3A_200, %mul3A_194 : i32
      %swap3A_202 = arith.constant 0 : i32
      %swap3A_203 = arith.index_cast %swap3A_202 : i32 to index
      %swap3A_204 = arith.index_cast %add3A_201 : i32 to index
      %swap3A_205 = tpu.vector_load %arg7[%swap3A_203, %swap3A_204] {strides = array<i32>} : memref<1x16384xf32, #tpu.memory_space<vmem>>, vector<16xf32>,
      tpu.vector_store %arg7[%swap3A_203, %swap3A_204], %gather3A_199 {add = true, strides = array<i32>} : memref<1x16384xf32, #tpu.memory_space<vmem>>, vector<16xf32>,
      %scan3A_206 = arith.constant 3 : i32
      %scan3A_207 = arith.addi %scan3A_166, %scan3A_206 : i32
      %mul3A_208 = arith.constant 16 : i32
      %mul3A_209 = arith.muli %scan3A_207, %mul3A_208 : i32
      %get3A_210 = arith.index_cast %mul3A_209 : i32 to index
      %get3A_211 = tpu.vector_load %arg9[%get3A_210] {strides = array<i32>} : memref<4096xi32, #tpu.memory_space<vmem>>, vector<16xi32>,
      %broadcast_in_dim3A_212 = arith.constant 0 : i32
      %broadcast_in_dim3A_213 = vector.broadcast %broadcast_in_dim3A_212 : i32 to vector<16xi32>
      %gather3A_214 = tpu.vector_load_idx %arg6[%broadcast_in_dim3A_213, %get3A_211] : memref<1x100000xf32, #tpu.memory_space<vmem>>[vector<16xi32>, vector<16xi32>], vector<16xf32>,
      %add3A_215 = arith.constant 12288 : i32
      %add3A_216 = arith.addi %add3A_215, %mul3A_209 : i32
      %swap3A_217 = arith.constant 0 : i32
      %swap3A_218 = arith.index_cast %swap3A_217 : i32 to index
      %swap3A_219 = arith.index_cast %add3A_216 : i32 to index
      %swap3A_220 = tpu.vector_load %arg7[%swap3A_218, %swap3A_219] {strides = array<i32>} : memref<1x16384xf32, #tpu.memory_space<vmem>>, vector<16xf32>,
      tpu.vector_store %arg7[%swap3A_218, %swap3A_219], %gather3A_214 {add = true, strides = array<i32>} : memref<1x16384xf32, #tpu.memory_space<vmem>>, vector<16xf32>,
      %scan3A_221 = arith.constant 4 : i32
      %scan3A_222 = arith.addi %scan3A_166, %scan3A_221 : i32
      %mul3A_223 = arith.constant 16 : i32
      %mul3A_224 = arith.muli %scan3A_222, %mul3A_223 : i32
      %get3A_225 = arith.index_cast %mul3A_224 : i32 to index
      %get3A_226 = tpu.vector_load %arg9[%get3A_225] {strides = array<i32>} : memref<4096xi32, #tpu.memory_space<vmem>>, vector<16xi32>,
      %broadcast_in_dim3A_227 = arith.constant 0 : i32
      %broadcast_in_dim3A_228 = vector.broadcast %broadcast_in_dim3A_227 : i32 to vector<16xi32>
      %gather3A_229 = tpu.vector_load_idx %arg6[%broadcast_in_dim3A_228, %get3A_226] : memref<1x100000xf32, #tpu.memory_space<vmem>>[vector<16xi32>, vector<16xi32>], vector<16xf32>,
      %add3A_230 = arith.constant 12288 : i32
      %add3A_231 = arith.addi %add3A_230, %mul3A_224 : i32
      %swap3A_232 = arith.constant 0 : i32
      %swap3A_233 = arith.index_cast %swap3A_232 : i32 to index
      %swap3A_234 = arith.index_cast %add3A_231 : i32 to index
      %swap3A_235 = tpu.vector_load %arg7[%swap3A_233, %swap3A_234] {strides = array<i32>} : memref<1x16384xf32, #tpu.memory_space<vmem>>, vector<16xf32>,
      tpu.vector_store %arg7[%swap3A_233, %swap3A_234], %gather3A_229 {add = true, strides = array<i32>} : memref<1x16384xf32, #tpu.memory_space<vmem>>, vector<16xf32>,
      %scan3A_236 = arith.constant 5 : i32
      %scan3A_237 = arith.addi %scan3A_166, %scan3A_236 : i32
      %mul3A_238 = arith.constant 16 : i32
      %mul3A_239 = arith.muli %scan3A_237, %mul3A_238 : i32
      %get3A_240 = arith.index_cast %mul3A_239 : i32 to index
      %get3A_241 = tpu.vector_load %arg9[%get3A_240] {strides = array<i32>} : memref<4096xi32, #tpu.memory_space<vmem>>, vector<16xi32>,
      %broadcast_in_dim3A_242 = arith.constant 0 : i32
      %broadcast_in_dim3A_243 = vector.broadcast %broadcast_in_dim3A_242 : i32 to vector<16xi32>
      %gather3A_244 = tpu.vector_load_idx %arg6[%broadcast_in_dim3A_243, %get3A_241] : memref<1x100000xf32, #tpu.memory_space<vmem>>[vector<16xi32>, vector<16xi32>], vector<16xf32>,
      %add3A_245 = arith.constant 12288 : i32
      %add3A_246 = arith.addi %add3A_245, %mul3A_239 : i32
      %swap3A_247 = arith.constant 0 : i32
      %swap3A_248 = arith.index_cast %swap3A_247 : i32 to index
      %swap3A_249 = arith.index_cast %add3A_246 : i32 to index
      %swap3A_250 = tpu.vector_load %arg7[%swap3A_248, %swap3A_249] {strides = array<i32>} : memref<1x16384xf32, #tpu.memory_space<vmem>>, vector<16xf32>,
      tpu.vector_store %arg7[%swap3A_248, %swap3A_249], %gather3A_244 {add = true, strides = array<i32>} : memref<1x16384xf32, #tpu.memory_space<vmem>>, vector<16xf32>,
      %scan3A_251 = arith.constant 6 : i32
      %scan3A_252 = arith.addi %scan3A_166, %scan3A_251 : i32
      %mul3A_253 = arith.constant 16 : i32
      %mul3A_254 = arith.muli %scan3A_252, %mul3A_253 : i32
      %get3A_255 = arith.index_cast %mul3A_254 : i32 to index
      %get3A_256 = tpu.vector_load %arg9[%get3A_255] {strides = array<i32>} : memref<4096xi32, #tpu.memory_space<vmem>>, vector<16xi32>,
      %broadcast_in_dim3A_257 = arith.constant 0 : i32
      %broadcast_in_dim3A_258 = vector.broadcast %broadcast_in_dim3A_257 : i32 to vector<16xi32>
      %gather3A_259 = tpu.vector_load_idx %arg6[%broadcast_in_dim3A_258, %get3A_256] : memref<1x100000xf32, #tpu.memory_space<vmem>>[vector<16xi32>, vector<16xi32>], vector<16xf32>,
      %add3A_260 = arith.constant 12288 : i32
      %add3A_261 = arith.addi %add3A_260, %mul3A_254 : i32
      %swap3A_262 = arith.constant 0 : i32
      %swap3A_263 = arith.index_cast %swap3A_262 : i32 to index
      %swap3A_264 = arith.index_cast %add3A_261 : i32 to index
      %swap3A_265 = tpu.vector_load %arg7[%swap3A_263, %swap3A_264] {strides = array<i32>} : memref<1x16384xf32, #tpu.memory_space<vmem>>, vector<16xf32>,
      tpu.vector_store %arg7[%swap3A_263, %swap3A_264], %gather3A_259 {add = true, strides = array<i32>} : memref<1x16384xf32, #tpu.memory_space<vmem>>, vector<16xf32>,
      %scan3A_266 = arith.constant 7 : i32
      %scan3A_267 = arith.addi %scan3A_166, %scan3A_266 : i32
      %mul3A_268 = arith.constant 16 : i32
      %mul3A_269 = arith.muli %scan3A_267, %mul3A_268 : i32
      %get3A_270 = arith.index_cast %mul3A_269 : i32 to index
      %get3A_271 = tpu.vector_load %arg9[%get3A_270] {strides = array<i32>} : memref<4096xi32, #tpu.memory_space<vmem>>, vector<16xi32>,
      %broadcast_in_dim3A_272 = arith.constant 0 : i32
      %broadcast_in_dim3A_273 = vector.broadcast %broadcast_in_dim3A_272 : i32 to vector<16xi32>
      %gather3A_274 = tpu.vector_load_idx %arg6[%broadcast_in_dim3A_273, %get3A_271] : memref<1x100000xf32, #tpu.memory_space<vmem>>[vector<16xi32>, vector<16xi32>], vector<16xf32>,
      %add3A_275 = arith.constant 12288 : i32
      %add3A_276 = arith.addi %add3A_275, %mul3A_269 : i32
      %swap3A_277 = arith.constant 0 : i32
      %swap3A_278 = arith.index_cast %swap3A_277 : i32 to index
      %swap3A_279 = arith.index_cast %add3A_276 : i32 to index
      %swap3A_280 = tpu.vector_load %arg7[%swap3A_278, %swap3A_279] {strides = array<i32>} : memref<1x16384xf32, #tpu.memory_space<vmem>>, vector<16xf32>,
      tpu.vector_store %arg7[%swap3A_278, %swap3A_279], %gather3A_274 {add = true, strides = array<i32>} : memref<1x16384xf32, #tpu.memory_space<vmem>>, vector<16xf32>,
    }
    %scan3A_73 = arith.constant 256 : i32
    %dma_start3A_74 = arith.constant 0 : i32
    %dma_start3A_75 = tpu.memref_slice %arg5[%add3A_4, %dma_start3A_74] : memref<64x16384xf32, #tpu.memory_space<hbm>> -> memref<1x16384xf32, #tpu.memory_space<hbm>>
    %dma_start3A_76 = arith.constant 0 : i32
    %dma_start3A_77 = tpu.memref_slice %arg5[%add3A_4, %dma_start3A_76] : memref<64x16384xf32, #tpu.memory_space<hbm>> -> memref<1x16384xf32, #tpu.memory_space<hbm>>
    tpu.enqueue_dma source(%arg7 : memref<1x16384xf32, #tpu.memory_space<vmem>>) target(%dma_start3A_77 : memref<1x16384xf32, #tpu.memory_space<hbm>>) target_semaphore(%arg13 : memref<!tpu.dma_semaphore, #tpu.memory_space<semaphore_mem>>)
    %mul3A_78 = arith.constant 2 : i32
    %mul3A_79 = arith.muli %add3A, %mul3A_78 : i32
    %add3A_80 = arith.constant 1 : i32
    %add3A_81 = arith.addi %mul3A_79, %add3A_80 : i32
    %dma_start3A_82 = arith.constant 0 : i32
    %dma_start3A_83 = tpu.memref_slice %arg4[%add3A_81, %dma_start3A_82] : memref<64x100000xf32, #tpu.memory_space<hbm>> -> memref<1x100000xf32, #tpu.memory_space<hbm>>
    %dma_start3A_84 = arith.constant 0 : i32
    %dma_start3A_85 = tpu.memref_slice %arg4[%add3A_81, %dma_start3A_84] : memref<64x100000xf32, #tpu.memory_space<hbm>> -> memref<1x100000xf32, #tpu.memory_space<hbm>>
    tpu.enqueue_dma source(%dma_start3A_85 : memref<1x100000xf32, #tpu.memory_space<hbm>>) target(%arg6 : memref<1x100000xf32, #tpu.memory_space<vmem>>) target_semaphore(%arg12 : memref<!tpu.dma_semaphore, #tpu.memory_space<semaphore_mem>>)
    %dma_wait3A_86 = arith.constant 0 : i32
    %dma_wait3A_87 = tpu.memref_slice %arg5[%add3A_4, %dma_wait3A_86] : memref<64x16384xf32, #tpu.memory_space<hbm>> -> memref<1x16384xf32, #tpu.memory_space<hbm>>
    %dma_wait3A_88 = arith.constant 0 : i32
    %dma_wait3A_89 = tpu.memref_slice %arg5[%add3A_4, %dma_wait3A_88] : memref<64x16384xf32, #tpu.memory_space<hbm>> -> memref<1x16384xf32, #tpu.memory_space<hbm>>
    tpu.wait_dma2 semaphore(%arg13 : memref<!tpu.dma_semaphore, #tpu.memory_space<semaphore_mem>>) src(%arg7 : memref<1x16384xf32, #tpu.memory_space<vmem>>) dst(%dma_wait3A_89 : memref<1x16384xf32, #tpu.memory_space<hbm>>)
    %dma_start3A_90 = arith.constant 0 : i32
    %dma_start3A_91 = tpu.memref_slice %arg2[%add3A_81, %dma_start3A_90] : memref<64x16384xf32, #tpu.memory_space<hbm>> -> memref<1x16384xf32, #tpu.memory_space<hbm>>
    %dma_start3A_92 = arith.constant 0 : i32
    %dma_start3A_93 = tpu.memref_slice %arg2[%add3A_81, %dma_start3A_92] : memref<64x16384xf32, #tpu.memory_space<hbm>> -> memref<1x16384xf32, #tpu.memory_space<hbm>>
    tpu.enqueue_dma source(%dma_start3A_93 : memref<1x16384xf32, #tpu.memory_space<hbm>>) target(%arg7 : memref<1x16384xf32, #tpu.memory_space<vmem>>) target_semaphore(%arg13 : memref<!tpu.dma_semaphore, #tpu.memory_space<semaphore_mem>>)
    %dma_start3A_94 = arith.constant 0 : i32
    %dma_start3A_95 = tpu.memref_slice %arg3[%dma_start3A_94] : memref<16384xi32, #tpu.memory_space<hbm>> -> memref<4096xi32, #tpu.memory_space<hbm>>
    %dma_start3A_96 = arith.constant 0 : i32
    %dma_start3A_97 = tpu.memref_slice %arg3[%dma_start3A_96] : memref<16384xi32, #tpu.memory_space<hbm>> -> memref<4096xi32, #tpu.memory_space<hbm>>
    tpu.enqueue_dma source(%dma_start3A_97 : memref<4096xi32, #tpu.memory_space<hbm>>) target(%arg8 : memref<4096xi32, #tpu.memory_space<vmem>>) target_semaphore(%arg10 : memref<!tpu.dma_semaphore, #tpu.memory_space<semaphore_mem>>)
    %dma_wait3A_98 = arith.constant 0 : i32
    %dma_wait3A_99 = tpu.memref_slice %arg4[%add3A_81, %dma_wait3A_98] : memref<64x100000xf32, #tpu.memory_space<hbm>> -> memref<1x100000xf32, #tpu.memory_space<hbm>>
    %dma_wait3A_100 = arith.constant 0 : i32
    %dma_wait3A_101 = tpu.memref_slice %arg4[%add3A_81, %dma_wait3A_100] : memref<64x100000xf32, #tpu.memory_space<hbm>> -> memref<1x100000xf32, #tpu.memory_space<hbm>>
    tpu.wait_dma2 semaphore(%arg12 : memref<!tpu.dma_semaphore, #tpu.memory_space<semaphore_mem>>) src(%dma_wait3A_101 : memref<1x100000xf32, #tpu.memory_space<hbm>>) dst(%arg6 : memref<1x100000xf32, #tpu.memory_space<vmem>>)
    %dma_wait3A_102 = arith.constant 0 : i32
    %dma_wait3A_103 = tpu.memref_slice %arg2[%add3A_81, %dma_wait3A_102] : memref<64x16384xf32, #tpu.memory_space<hbm>> -> memref<1x16384xf32, #tpu.memory_space<hbm>>
    %dma_wait3A_104 = arith.constant 0 : i32
    %dma_wait3A_105 = tpu.memref_slice %arg2[%add3A_81, %dma_wait3A_104] : memref<64x16384xf32, #tpu.memory_space<hbm>> -> memref<1x16384xf32, #tpu.memory_space<hbm>>
    tpu.wait_dma2 semaphore(%arg13 : memref<!tpu.dma_semaphore, #tpu.memory_space<semaphore_mem>>) src(%dma_wait3A_105 : memref<1x16384xf32, #tpu.memory_space<hbm>>) dst(%arg7 : memref<1x16384xf32, #tpu.memory_space<vmem>>)
    %dma_start3A_106 = arith.constant 4096 : i32
    %dma_start3A_107 = tpu.memref_slice %arg3[%dma_start3A_106] : memref<16384xi32, #tpu.memory_space<hbm>> -> memref<4096xi32, #tpu.memory_space<hbm>>
    %dma_start3A_108 = arith.constant 4096 : i32
    %dma_start3A_109 = tpu.memref_slice %arg3[%dma_start3A_108] : memref<16384xi32, #tpu.memory_space<hbm>> -> memref<4096xi32, #tpu.memory_space<hbm>>
    tpu.enqueue_dma source(%dma_start3A_109 : memref<4096xi32, #tpu.memory_space<hbm>>) target(%arg9 : memref<4096xi32, #tpu.memory_space<vmem>>) target_semaphore(%arg11 : memref<!tpu.dma_semaphore, #tpu.memory_space<semaphore_mem>>)
    %dma_wait3A_110 = arith.constant 0 : i32
    %dma_wait3A_111 = tpu.memref_slice %arg3[%dma_wait3A_110] : memref<16384xi32, #tpu.memory_space<hbm>> -> memref<4096xi32, #tpu.memory_space<hbm>>
    %dma_wait3A_112 = arith.constant 0 : i32
    %dma_wait3A_113 = tpu.memref_slice %arg3[%dma_wait3A_112] : memref<16384xi32, #tpu.memory_space<hbm>> -> memref<4096xi32, #tpu.memory_space<hbm>>
    tpu.wait_dma2 semaphore(%arg10 : memref<!tpu.dma_semaphore, #tpu.memory_space<semaphore_mem>>) src(%dma_wait3A_113 : memref<4096xi32, #tpu.memory_space<hbm>>) dst(%arg8 : memref<4096xi32, #tpu.memory_space<vmem>>)
    %scan3A_114 = arith.constant 0 : i32
    %scan3A_115 = arith.constant 0 : i32
    %scan3A_116 = arith.constant 256 : i32
    %scan3A_117 = arith.addi %scan3A_115, %scan3A_116 : i32
    %scan3A_118 = arith.constant 8 : i32
    scf.for %scan3A_166 = %scan3A_115 to %scan3A_117 step %scan3A_118  : i32 {
      %mul3A_167 = arith.constant 16 : i32
      %mul3A_168 = arith.muli %scan3A_166, %mul3A_167 : i32
      %get3A = arith.index_cast %mul3A_168 : i32 to index
      %get3A_169 = tpu.vector_load %arg8[%get3A] {strides = array<i32>} : memref<4096xi32, #tpu.memory_space<vmem>>, vector<16xi32>,
      %broadcast_in_dim3A = arith.constant 0 : i32
      %broadcast_in_dim3A_170 = vector.broadcast %broadcast_in_dim3A : i32 to vector<16xi32>
      %gather3A = tpu.vector_load_idx %arg6[%broadcast_in_dim3A_170, %get3A_169] : memref<1x100000xf32, #tpu.memory_space<vmem>>[vector<16xi32>, vector<16xi32>], vector<16xf32>,
      %add3A_171 = arith.constant 0 : i32
      %add3A_172 = arith.addi %add3A_171, %mul3A_168 : i32
      %swap3A = arith.constant 0 : i32
      %swap3A_173 = arith.index_cast %swap3A : i32 to index
      %swap3A_174 = arith.index_cast %add3A_172 : i32 to index
      %swap3A_175 = tpu.vector_load %arg7[%swap3A_173, %swap3A_174] {strides = array<i32>} : memref<1x16384xf32, #tpu.memory_space<vmem>>, vector<16xf32>,
      tpu.vector_store %arg7[%swap3A_173, %swap3A_174], %gather3A {add = true, strides = array<i32>} : memref<1x16384xf32, #tpu.memory_space<vmem>>, vector<16xf32>,
      %scan3A_176 = arith.constant 1 : i32
      %scan3A_177 = arith.addi %scan3A_166, %scan3A_176 : i32
      %mul3A_178 = arith.constant 16 : i32
      %mul3A_179 = arith.muli %scan3A_177, %mul3A_178 : i32
      %get3A_180 = arith.index_cast %mul3A_179 : i32 to index
      %get3A_181 = tpu.vector_load %arg8[%get3A_180] {strides = array<i32>} : memref<4096xi32, #tpu.memory_space<vmem>>, vector<16xi32>,
      %broadcast_in_dim3A_182 = arith.constant 0 : i32
      %broadcast_in_dim3A_183 = vector.broadcast %broadcast_in_dim3A_182 : i32 to vector<16xi32>
      %gather3A_184 = tpu.vector_load_idx %arg6[%broadcast_in_dim3A_183, %get3A_181] : memref<1x100000xf32, #tpu.memory_space<vmem>>[vector<16xi32>, vector<16xi32>], vector<16xf32>,
      %add3A_185 = arith.constant 0 : i32
      %add3A_186 = arith.addi %add3A_185, %mul3A_179 : i32
      %swap3A_187 = arith.constant 0 : i32
      %swap3A_188 = arith.index_cast %swap3A_187 : i32 to index
      %swap3A_189 = arith.index_cast %add3A_186 : i32 to index
      %swap3A_190 = tpu.vector_load %arg7[%swap3A_188, %swap3A_189] {strides = array<i32>} : memref<1x16384xf32, #tpu.memory_space<vmem>>, vector<16xf32>,
      tpu.vector_store %arg7[%swap3A_188, %swap3A_189], %gather3A_184 {add = true, strides = array<i32>} : memref<1x16384xf32, #tpu.memory_space<vmem>>, vector<16xf32>,
      %scan3A_191 = arith.constant 2 : i32
      %scan3A_192 = arith.addi %scan3A_166, %scan3A_191 : i32
      %mul3A_193 = arith.constant 16 : i32
      %mul3A_194 = arith.muli %scan3A_192, %mul3A_193 : i32
      %get3A_195 = arith.index_cast %mul3A_194 : i32 to index
      %get3A_196 = tpu.vector_load %arg8[%get3A_195] {strides = array<i32>} : memref<4096xi32, #tpu.memory_space<vmem>>, vector<16xi32>,
      %broadcast_in_dim3A_197 = arith.constant 0 : i32
      %broadcast_in_dim3A_198 = vector.broadcast %broadcast_in_dim3A_197 : i32 to vector<16xi32>
      %gather3A_199 = tpu.vector_load_idx %arg6[%broadcast_in_dim3A_198, %get3A_196] : memref<1x100000xf32, #tpu.memory_space<vmem>>[vector<16xi32>, vector<16xi32>], vector<16xf32>,
      %add3A_200 = arith.constant 0 : i32
      %add3A_201 = arith.addi %add3A_200, %mul3A_194 : i32
      %swap3A_202 = arith.constant 0 : i32
      %swap3A_203 = arith.index_cast %swap3A_202 : i32 to index
      %swap3A_204 = arith.index_cast %add3A_201 : i32 to index
      %swap3A_205 = tpu.vector_load %arg7[%swap3A_203, %swap3A_204] {strides = array<i32>} : memref<1x16384xf32, #tpu.memory_space<vmem>>, vector<16xf32>,
      tpu.vector_store %arg7[%swap3A_203, %swap3A_204], %gather3A_199 {add = true, strides = array<i32>} : memref<1x16384xf32, #tpu.memory_space<vmem>>, vector<16xf32>,
      %scan3A_206 = arith.constant 3 : i32
      %scan3A_207 = arith.addi %scan3A_166, %scan3A_206 : i32
      %mul3A_208 = arith.constant 16 : i32
      %mul3A_209 = arith.muli %scan3A_207, %mul3A_208 : i32
      %get3A_210 = arith.index_cast %mul3A_209 : i32 to index
      %get3A_211 = tpu.vector_load %arg8[%get3A_210] {strides = array<i32>} : memref<4096xi32, #tpu.memory_space<vmem>>, vector<16xi32>,
      %broadcast_in_dim3A_212 = arith.constant 0 : i32
      %broadcast_in_dim3A_213 = vector.broadcast %broadcast_in_dim3A_212 : i32 to vector<16xi32>
      %gather3A_214 = tpu.vector_load_idx %arg6[%broadcast_in_dim3A_213, %get3A_211] : memref<1x100000xf32, #tpu.memory_space<vmem>>[vector<16xi32>, vector<16xi32>], vector<16xf32>,
      %add3A_215 = arith.constant 0 : i32
      %add3A_216 = arith.addi %add3A_215, %mul3A_209 : i32
      %swap3A_217 = arith.constant 0 : i32
      %swap3A_218 = arith.index_cast %swap3A_217 : i32 to index
      %swap3A_219 = arith.index_cast %add3A_216 : i32 to index
      %swap3A_220 = tpu.vector_load %arg7[%swap3A_218, %swap3A_219] {strides = array<i32>} : memref<1x16384xf32, #tpu.memory_space<vmem>>, vector<16xf32>,
      tpu.vector_store %arg7[%swap3A_218, %swap3A_219], %gather3A_214 {add = true, strides = array<i32>} : memref<1x16384xf32, #tpu.memory_space<vmem>>, vector<16xf32>,
      %scan3A_221 = arith.constant 4 : i32
      %scan3A_222 = arith.addi %scan3A_166, %scan3A_221 : i32
      %mul3A_223 = arith.constant 16 : i32
      %mul3A_224 = arith.muli %scan3A_222, %mul3A_223 : i32
      %get3A_225 = arith.index_cast %mul3A_224 : i32 to index
      %get3A_226 = tpu.vector_load %arg8[%get3A_225] {strides = array<i32>} : memref<4096xi32, #tpu.memory_space<vmem>>, vector<16xi32>,
      %broadcast_in_dim3A_227 = arith.constant 0 : i32
      %broadcast_in_dim3A_228 = vector.broadcast %broadcast_in_dim3A_227 : i32 to vector<16xi32>
      %gather3A_229 = tpu.vector_load_idx %arg6[%broadcast_in_dim3A_228, %get3A_226] : memref<1x100000xf32, #tpu.memory_space<vmem>>[vector<16xi32>, vector<16xi32>], vector<16xf32>,
      %add3A_230 = arith.constant 0 : i32
      %add3A_231 = arith.addi %add3A_230, %mul3A_224 : i32
      %swap3A_232 = arith.constant 0 : i32
      %swap3A_233 = arith.index_cast %swap3A_232 : i32 to index
      %swap3A_234 = arith.index_cast %add3A_231 : i32 to index
      %swap3A_235 = tpu.vector_load %arg7[%swap3A_233, %swap3A_234] {strides = array<i32>} : memref<1x16384xf32, #tpu.memory_space<vmem>>, vector<16xf32>,
      tpu.vector_store %arg7[%swap3A_233, %swap3A_234], %gather3A_229 {add = true, strides = array<i32>} : memref<1x16384xf32, #tpu.memory_space<vmem>>, vector<16xf32>,
      %scan3A_236 = arith.constant 5 : i32
      %scan3A_237 = arith.addi %scan3A_166, %scan3A_236 : i32
      %mul3A_238 = arith.constant 16 : i32
      %mul3A_239 = arith.muli %scan3A_237, %mul3A_238 : i32
      %get3A_240 = arith.index_cast %mul3A_239 : i32 to index
      %get3A_241 = tpu.vector_load %arg8[%get3A_240] {strides = array<i32>} : memref<4096xi32, #tpu.memory_space<vmem>>, vector<16xi32>,
      %broadcast_in_dim3A_242 = arith.constant 0 : i32
      %broadcast_in_dim3A_243 = vector.broadcast %broadcast_in_dim3A_242 : i32 to vector<16xi32>
      %gather3A_244 = tpu.vector_load_idx %arg6[%broadcast_in_dim3A_243, %get3A_241] : memref<1x100000xf32, #tpu.memory_space<vmem>>[vector<16xi32>, vector<16xi32>], vector<16xf32>,
      %add3A_245 = arith.constant 0 : i32
      %add3A_246 = arith.addi %add3A_245, %mul3A_239 : i32
      %swap3A_247 = arith.constant 0 : i32
      %swap3A_248 = arith.index_cast %swap3A_247 : i32 to index
      %swap3A_249 = arith.index_cast %add3A_246 : i32 to index
      %swap3A_250 = tpu.vector_load %arg7[%swap3A_248, %swap3A_249] {strides = array<i32>} : memref<1x16384xf32, #tpu.memory_space<vmem>>, vector<16xf32>,
      tpu.vector_store %arg7[%swap3A_248, %swap3A_249], %gather3A_244 {add = true, strides = array<i32>} : memref<1x16384xf32, #tpu.memory_space<vmem>>, vector<16xf32>,
      %scan3A_251 = arith.constant 6 : i32
      %scan3A_252 = arith.addi %scan3A_166, %scan3A_251 : i32
      %mul3A_253 = arith.constant 16 : i32
      %mul3A_254 = arith.muli %scan3A_252, %mul3A_253 : i32
      %get3A_255 = arith.index_cast %mul3A_254 : i32 to index
      %get3A_256 = tpu.vector_load %arg8[%get3A_255] {strides = array<i32>} : memref<4096xi32, #tpu.memory_space<vmem>>, vector<16xi32>,
      %broadcast_in_dim3A_257 = arith.constant 0 : i32
      %broadcast_in_dim3A_258 = vector.broadcast %broadcast_in_dim3A_257 : i32 to vector<16xi32>
      %gather3A_259 = tpu.vector_load_idx %arg6[%broadcast_in_dim3A_258, %get3A_256] : memref<1x100000xf32, #tpu.memory_space<vmem>>[vector<16xi32>, vector<16xi32>], vector<16xf32>,
      %add3A_260 = arith.constant 0 : i32
      %add3A_261 = arith.addi %add3A_260, %mul3A_254 : i32
      %swap3A_262 = arith.constant 0 : i32
      %swap3A_263 = arith.index_cast %swap3A_262 : i32 to index
      %swap3A_264 = arith.index_cast %add3A_261 : i32 to index
      %swap3A_265 = tpu.vector_load %arg7[%swap3A_263, %swap3A_264] {strides = array<i32>} : memref<1x16384xf32, #tpu.memory_space<vmem>>, vector<16xf32>,
      tpu.vector_store %arg7[%swap3A_263, %swap3A_264], %gather3A_259 {add = true, strides = array<i32>} : memref<1x16384xf32, #tpu.memory_space<vmem>>, vector<16xf32>,
      %scan3A_266 = arith.constant 7 : i32
      %scan3A_267 = arith.addi %scan3A_166, %scan3A_266 : i32
      %mul3A_268 = arith.constant 16 : i32
      %mul3A_269 = arith.muli %scan3A_267, %mul3A_268 : i32
      %get3A_270 = arith.index_cast %mul3A_269 : i32 to index
      %get3A_271 = tpu.vector_load %arg8[%get3A_270] {strides = array<i32>} : memref<4096xi32, #tpu.memory_space<vmem>>, vector<16xi32>,
      %broadcast_in_dim3A_272 = arith.constant 0 : i32
      %broadcast_in_dim3A_273 = vector.broadcast %broadcast_in_dim3A_272 : i32 to vector<16xi32>
      %gather3A_274 = tpu.vector_load_idx %arg6[%broadcast_in_dim3A_273, %get3A_271] : memref<1x100000xf32, #tpu.memory_space<vmem>>[vector<16xi32>, vector<16xi32>], vector<16xf32>,
      %add3A_275 = arith.constant 0 : i32
      %add3A_276 = arith.addi %add3A_275, %mul3A_269 : i32
      %swap3A_277 = arith.constant 0 : i32
      %swap3A_278 = arith.index_cast %swap3A_277 : i32 to index
      %swap3A_279 = arith.index_cast %add3A_276 : i32 to index
      %swap3A_280 = tpu.vector_load %arg7[%swap3A_278, %swap3A_279] {strides = array<i32>} : memref<1x16384xf32, #tpu.memory_space<vmem>>, vector<16xf32>,
      tpu.vector_store %arg7[%swap3A_278, %swap3A_279], %gather3A_274 {add = true, strides = array<i32>} : memref<1x16384xf32, #tpu.memory_space<vmem>>, vector<16xf32>,
    }
    %scan3A_119 = arith.constant 256 : i32
    %dma_start3A_120 = arith.constant 8192 : i32
    %dma_start3A_121 = tpu.memref_slice %arg3[%dma_start3A_120] : memref<16384xi32, #tpu.memory_space<hbm>> -> memref<4096xi32, #tpu.memory_space<hbm>>
    %dma_start3A_122 = arith.constant 8192 : i32
    %dma_start3A_123 = tpu.memref_slice %arg3[%dma_start3A_122] : memref<16384xi32, #tpu.memory_space<hbm>> -> memref<4096xi32, #tpu.memory_space<hbm>>
    tpu.enqueue_dma source(%dma_start3A_123 : memref<4096xi32, #tpu.memory_space<hbm>>) target(%arg8 : memref<4096xi32, #tpu.memory_space<vmem>>) target_semaphore(%arg10 : memref<!tpu.dma_semaphore, #tpu.memory_space<semaphore_mem>>)
    %dma_wait3A_124 = arith.constant 4096 : i32
    %dma_wait3A_125 = tpu.memref_slice %arg3[%dma_wait3A_124] : memref<16384xi32, #tpu.memory_space<hbm>> -> memref<4096xi32, #tpu.memory_space<hbm>>
    %dma_wait3A_126 = arith.constant 4096 : i32
    %dma_wait3A_127 = tpu.memref_slice %arg3[%dma_wait3A_126] : memref<16384xi32, #tpu.memory_space<hbm>> -> memref<4096xi32, #tpu.memory_space<hbm>>
    tpu.wait_dma2 semaphore(%arg11 : memref<!tpu.dma_semaphore, #tpu.memory_space<semaphore_mem>>) src(%dma_wait3A_127 : memref<4096xi32, #tpu.memory_space<hbm>>) dst(%arg9 : memref<4096xi32, #tpu.memory_space<vmem>>)
    %scan3A_128 = arith.constant 0 : i32
    %scan3A_129 = arith.constant 0 : i32
    %scan3A_130 = arith.constant 256 : i32
    %scan3A_131 = arith.addi %scan3A_129, %scan3A_130 : i32
    %scan3A_132 = arith.constant 8 : i32
    scf.for %scan3A_166 = %scan3A_129 to %scan3A_131 step %scan3A_132  : i32 {
      %mul3A_167 = arith.constant 16 : i32
      %mul3A_168 = arith.muli %scan3A_166, %mul3A_167 : i32
      %get3A = arith.index_cast %mul3A_168 : i32 to index
      %get3A_169 = tpu.vector_load %arg9[%get3A] {strides = array<i32>} : memref<4096xi32, #tpu.memory_space<vmem>>, vector<16xi32>,
      %broadcast_in_dim3A = arith.constant 0 : i32
      %broadcast_in_dim3A_170 = vector.broadcast %broadcast_in_dim3A : i32 to vector<16xi32>
      %gather3A = tpu.vector_load_idx %arg6[%broadcast_in_dim3A_170, %get3A_169] : memref<1x100000xf32, #tpu.memory_space<vmem>>[vector<16xi32>, vector<16xi32>], vector<16xf32>,
      %add3A_171 = arith.constant 4096 : i32
      %add3A_172 = arith.addi %add3A_171, %mul3A_168 : i32
      %swap3A = arith.constant 0 : i32
      %swap3A_173 = arith.index_cast %swap3A : i32 to index
      %swap3A_174 = arith.index_cast %add3A_172 : i32 to index
      %swap3A_175 = tpu.vector_load %arg7[%swap3A_173, %swap3A_174] {strides = array<i32>} : memref<1x16384xf32, #tpu.memory_space<vmem>>, vector<16xf32>,
      tpu.vector_store %arg7[%swap3A_173, %swap3A_174], %gather3A {add = true, strides = array<i32>} : memref<1x16384xf32, #tpu.memory_space<vmem>>, vector<16xf32>,
      %scan3A_176 = arith.constant 1 : i32
      %scan3A_177 = arith.addi %scan3A_166, %scan3A_176 : i32
      %mul3A_178 = arith.constant 16 : i32
      %mul3A_179 = arith.muli %scan3A_177, %mul3A_178 : i32
      %get3A_180 = arith.index_cast %mul3A_179 : i32 to index
      %get3A_181 = tpu.vector_load %arg9[%get3A_180] {strides = array<i32>} : memref<4096xi32, #tpu.memory_space<vmem>>, vector<16xi32>,
      %broadcast_in_dim3A_182 = arith.constant 0 : i32
      %broadcast_in_dim3A_183 = vector.broadcast %broadcast_in_dim3A_182 : i32 to vector<16xi32>
      %gather3A_184 = tpu.vector_load_idx %arg6[%broadcast_in_dim3A_183, %get3A_181] : memref<1x100000xf32, #tpu.memory_space<vmem>>[vector<16xi32>, vector<16xi32>], vector<16xf32>,
      %add3A_185 = arith.constant 4096 : i32
      %add3A_186 = arith.addi %add3A_185, %mul3A_179 : i32
      %swap3A_187 = arith.constant 0 : i32
      %swap3A_188 = arith.index_cast %swap3A_187 : i32 to index
      %swap3A_189 = arith.index_cast %add3A_186 : i32 to index
      %swap3A_190 = tpu.vector_load %arg7[%swap3A_188, %swap3A_189] {strides = array<i32>} : memref<1x16384xf32, #tpu.memory_space<vmem>>, vector<16xf32>,
      tpu.vector_store %arg7[%swap3A_188, %swap3A_189], %gather3A_184 {add = true, strides = array<i32>} : memref<1x16384xf32, #tpu.memory_space<vmem>>, vector<16xf32>,
      %scan3A_191 = arith.constant 2 : i32
      %scan3A_192 = arith.addi %scan3A_166, %scan3A_191 : i32
      %mul3A_193 = arith.constant 16 : i32
      %mul3A_194 = arith.muli %scan3A_192, %mul3A_193 : i32
      %get3A_195 = arith.index_cast %mul3A_194 : i32 to index
      %get3A_196 = tpu.vector_load %arg9[%get3A_195] {strides = array<i32>} : memref<4096xi32, #tpu.memory_space<vmem>>, vector<16xi32>,
      %broadcast_in_dim3A_197 = arith.constant 0 : i32
      %broadcast_in_dim3A_198 = vector.broadcast %broadcast_in_dim3A_197 : i32 to vector<16xi32>
      %gather3A_199 = tpu.vector_load_idx %arg6[%broadcast_in_dim3A_198, %get3A_196] : memref<1x100000xf32, #tpu.memory_space<vmem>>[vector<16xi32>, vector<16xi32>], vector<16xf32>,
      %add3A_200 = arith.constant 4096 : i32
      %add3A_201 = arith.addi %add3A_200, %mul3A_194 : i32
      %swap3A_202 = arith.constant 0 : i32
      %swap3A_203 = arith.index_cast %swap3A_202 : i32 to index
      %swap3A_204 = arith.index_cast %add3A_201 : i32 to index
      %swap3A_205 = tpu.vector_load %arg7[%swap3A_203, %swap3A_204] {strides = array<i32>} : memref<1x16384xf32, #tpu.memory_space<vmem>>, vector<16xf32>,
      tpu.vector_store %arg7[%swap3A_203, %swap3A_204], %gather3A_199 {add = true, strides = array<i32>} : memref<1x16384xf32, #tpu.memory_space<vmem>>, vector<16xf32>,
      %scan3A_206 = arith.constant 3 : i32
      %scan3A_207 = arith.addi %scan3A_166, %scan3A_206 : i32
      %mul3A_208 = arith.constant 16 : i32
      %mul3A_209 = arith.muli %scan3A_207, %mul3A_208 : i32
      %get3A_210 = arith.index_cast %mul3A_209 : i32 to index
      %get3A_211 = tpu.vector_load %arg9[%get3A_210] {strides = array<i32>} : memref<4096xi32, #tpu.memory_space<vmem>>, vector<16xi32>,
      %broadcast_in_dim3A_212 = arith.constant 0 : i32
      %broadcast_in_dim3A_213 = vector.broadcast %broadcast_in_dim3A_212 : i32 to vector<16xi32>
      %gather3A_214 = tpu.vector_load_idx %arg6[%broadcast_in_dim3A_213, %get3A_211] : memref<1x100000xf32, #tpu.memory_space<vmem>>[vector<16xi32>, vector<16xi32>], vector<16xf32>,
      %add3A_215 = arith.constant 4096 : i32
      %add3A_216 = arith.addi %add3A_215, %mul3A_209 : i32
      %swap3A_217 = arith.constant 0 : i32
      %swap3A_218 = arith.index_cast %swap3A_217 : i32 to index
      %swap3A_219 = arith.index_cast %add3A_216 : i32 to index
      %swap3A_220 = tpu.vector_load %arg7[%swap3A_218, %swap3A_219] {strides = array<i32>} : memref<1x16384xf32, #tpu.memory_space<vmem>>, vector<16xf32>,
      tpu.vector_store %arg7[%swap3A_218, %swap3A_219], %gather3A_214 {add = true, strides = array<i32>} : memref<1x16384xf32, #tpu.memory_space<vmem>>, vector<16xf32>,
      %scan3A_221 = arith.constant 4 : i32
      %scan3A_222 = arith.addi %scan3A_166, %scan3A_221 : i32
      %mul3A_223 = arith.constant 16 : i32
      %mul3A_224 = arith.muli %scan3A_222, %mul3A_223 : i32
      %get3A_225 = arith.index_cast %mul3A_224 : i32 to index
      %get3A_226 = tpu.vector_load %arg9[%get3A_225] {strides = array<i32>} : memref<4096xi32, #tpu.memory_space<vmem>>, vector<16xi32>,
      %broadcast_in_dim3A_227 = arith.constant 0 : i32
      %broadcast_in_dim3A_228 = vector.broadcast %broadcast_in_dim3A_227 : i32 to vector<16xi32>
      %gather3A_229 = tpu.vector_load_idx %arg6[%broadcast_in_dim3A_228, %get3A_226] : memref<1x100000xf32, #tpu.memory_space<vmem>>[vector<16xi32>, vector<16xi32>], vector<16xf32>,
      %add3A_230 = arith.constant 4096 : i32
      %add3A_231 = arith.addi %add3A_230, %mul3A_224 : i32
      %swap3A_232 = arith.constant 0 : i32
      %swap3A_233 = arith.index_cast %swap3A_232 : i32 to index
      %swap3A_234 = arith.index_cast %add3A_231 : i32 to index
      %swap3A_235 = tpu.vector_load %arg7[%swap3A_233, %swap3A_234] {strides = array<i32>} : memref<1x16384xf32, #tpu.memory_space<vmem>>, vector<16xf32>,
      tpu.vector_store %arg7[%swap3A_233, %swap3A_234], %gather3A_229 {add = true, strides = array<i32>} : memref<1x16384xf32, #tpu.memory_space<vmem>>, vector<16xf32>,
      %scan3A_236 = arith.constant 5 : i32
      %scan3A_237 = arith.addi %scan3A_166, %scan3A_236 : i32
      %mul3A_238 = arith.constant 16 : i32
      %mul3A_239 = arith.muli %scan3A_237, %mul3A_238 : i32
      %get3A_240 = arith.index_cast %mul3A_239 : i32 to index
      %get3A_241 = tpu.vector_load %arg9[%get3A_240] {strides = array<i32>} : memref<4096xi32, #tpu.memory_space<vmem>>, vector<16xi32>,
      %broadcast_in_dim3A_242 = arith.constant 0 : i32
      %broadcast_in_dim3A_243 = vector.broadcast %broadcast_in_dim3A_242 : i32 to vector<16xi32>
      %gather3A_244 = tpu.vector_load_idx %arg6[%broadcast_in_dim3A_243, %get3A_241] : memref<1x100000xf32, #tpu.memory_space<vmem>>[vector<16xi32>, vector<16xi32>], vector<16xf32>,
      %add3A_245 = arith.constant 4096 : i32
      %add3A_246 = arith.addi %add3A_245, %mul3A_239 : i32
      %swap3A_247 = arith.constant 0 : i32
      %swap3A_248 = arith.index_cast %swap3A_247 : i32 to index
      %swap3A_249 = arith.index_cast %add3A_246 : i32 to index
      %swap3A_250 = tpu.vector_load %arg7[%swap3A_248, %swap3A_249] {strides = array<i32>} : memref<1x16384xf32, #tpu.memory_space<vmem>>, vector<16xf32>,
      tpu.vector_store %arg7[%swap3A_248, %swap3A_249], %gather3A_244 {add = true, strides = array<i32>} : memref<1x16384xf32, #tpu.memory_space<vmem>>, vector<16xf32>,
      %scan3A_251 = arith.constant 6 : i32
      %scan3A_252 = arith.addi %scan3A_166, %scan3A_251 : i32
      %mul3A_253 = arith.constant 16 : i32
      %mul3A_254 = arith.muli %scan3A_252, %mul3A_253 : i32
      %get3A_255 = arith.index_cast %mul3A_254 : i32 to index
      %get3A_256 = tpu.vector_load %arg9[%get3A_255] {strides = array<i32>} : memref<4096xi32, #tpu.memory_space<vmem>>, vector<16xi32>,
      %broadcast_in_dim3A_257 = arith.constant 0 : i32
      %broadcast_in_dim3A_258 = vector.broadcast %broadcast_in_dim3A_257 : i32 to vector<16xi32>
      %gather3A_259 = tpu.vector_load_idx %arg6[%broadcast_in_dim3A_258, %get3A_256] : memref<1x100000xf32, #tpu.memory_space<vmem>>[vector<16xi32>, vector<16xi32>], vector<16xf32>,
      %add3A_260 = arith.constant 4096 : i32
      %add3A_261 = arith.addi %add3A_260, %mul3A_254 : i32
      %swap3A_262 = arith.constant 0 : i32
      %swap3A_263 = arith.index_cast %swap3A_262 : i32 to index
      %swap3A_264 = arith.index_cast %add3A_261 : i32 to index
      %swap3A_265 = tpu.vector_load %arg7[%swap3A_263, %swap3A_264] {strides = array<i32>} : memref<1x16384xf32, #tpu.memory_space<vmem>>, vector<16xf32>,
      tpu.vector_store %arg7[%swap3A_263, %swap3A_264], %gather3A_259 {add = true, strides = array<i32>} : memref<1x16384xf32, #tpu.memory_space<vmem>>, vector<16xf32>,
      %scan3A_266 = arith.constant 7 : i32
      %scan3A_267 = arith.addi %scan3A_166, %scan3A_266 : i32
      %mul3A_268 = arith.constant 16 : i32
      %mul3A_269 = arith.muli %scan3A_267, %mul3A_268 : i32
      %get3A_270 = arith.index_cast %mul3A_269 : i32 to index
      %get3A_271 = tpu.vector_load %arg9[%get3A_270] {strides = array<i32>} : memref<4096xi32, #tpu.memory_space<vmem>>, vector<16xi32>,
      %broadcast_in_dim3A_272 = arith.constant 0 : i32
      %broadcast_in_dim3A_273 = vector.broadcast %broadcast_in_dim3A_272 : i32 to vector<16xi32>
      %gather3A_274 = tpu.vector_load_idx %arg6[%broadcast_in_dim3A_273, %get3A_271] : memref<1x100000xf32, #tpu.memory_space<vmem>>[vector<16xi32>, vector<16xi32>], vector<16xf32>,
      %add3A_275 = arith.constant 4096 : i32
      %add3A_276 = arith.addi %add3A_275, %mul3A_269 : i32
      %swap3A_277 = arith.constant 0 : i32
      %swap3A_278 = arith.index_cast %swap3A_277 : i32 to index
      %swap3A_279 = arith.index_cast %add3A_276 : i32 to index
      %swap3A_280 = tpu.vector_load %arg7[%swap3A_278, %swap3A_279] {strides = array<i32>} : memref<1x16384xf32, #tpu.memory_space<vmem>>, vector<16xf32>,
      tpu.vector_store %arg7[%swap3A_278, %swap3A_279], %gather3A_274 {add = true, strides = array<i32>} : memref<1x16384xf32, #tpu.memory_space<vmem>>, vector<16xf32>,
    }
    %scan3A_133 = arith.constant 256 : i32
    %dma_start3A_134 = arith.constant 12288 : i32
    %dma_start3A_135 = tpu.memref_slice %arg3[%dma_start3A_134] : memref<16384xi32, #tpu.memory_space<hbm>> -> memref<4096xi32, #tpu.memory_space<hbm>>
    %dma_start3A_136 = arith.constant 12288 : i32
    %dma_start3A_137 = tpu.memref_slice %arg3[%dma_start3A_136] : memref<16384xi32, #tpu.memory_space<hbm>> -> memref<4096xi32, #tpu.memory_space<hbm>>
    tpu.enqueue_dma source(%dma_start3A_137 : memref<4096xi32, #tpu.memory_space<hbm>>) target(%arg9 : memref<4096xi32, #tpu.memory_space<vmem>>) target_semaphore(%arg11 : memref<!tpu.dma_semaphore, #tpu.memory_space<semaphore_mem>>)
    %dma_wait3A_138 = arith.constant 8192 : i32
    %dma_wait3A_139 = tpu.memref_slice %arg3[%dma_wait3A_138] : memref<16384xi32, #tpu.memory_space<hbm>> -> memref<4096xi32, #tpu.memory_space<hbm>>
    %dma_wait3A_140 = arith.constant 8192 : i32
    %dma_wait3A_141 = tpu.memref_slice %arg3[%dma_wait3A_140] : memref<16384xi32, #tpu.memory_space<hbm>> -> memref<4096xi32, #tpu.memory_space<hbm>>
    tpu.wait_dma2 semaphore(%arg10 : memref<!tpu.dma_semaphore, #tpu.memory_space<semaphore_mem>>) src(%dma_wait3A_141 : memref<4096xi32, #tpu.memory_space<hbm>>) dst(%arg8 : memref<4096xi32, #tpu.memory_space<vmem>>)
    %scan3A_142 = arith.constant 0 : i32
    %scan3A_143 = arith.constant 0 : i32
    %scan3A_144 = arith.constant 256 : i32
    %scan3A_145 = arith.addi %scan3A_143, %scan3A_144 : i32
    %scan3A_146 = arith.constant 8 : i32
    scf.for %scan3A_166 = %scan3A_143 to %scan3A_145 step %scan3A_146  : i32 {
      %mul3A_167 = arith.constant 16 : i32
      %mul3A_168 = arith.muli %scan3A_166, %mul3A_167 : i32
      %get3A = arith.index_cast %mul3A_168 : i32 to index
      %get3A_169 = tpu.vector_load %arg8[%get3A] {strides = array<i32>} : memref<4096xi32, #tpu.memory_space<vmem>>, vector<16xi32>,
      %broadcast_in_dim3A = arith.constant 0 : i32
      %broadcast_in_dim3A_170 = vector.broadcast %broadcast_in_dim3A : i32 to vector<16xi32>
      %gather3A = tpu.vector_load_idx %arg6[%broadcast_in_dim3A_170, %get3A_169] : memref<1x100000xf32, #tpu.memory_space<vmem>>[vector<16xi32>, vector<16xi32>], vector<16xf32>,
      %add3A_171 = arith.constant 8192 : i32
      %add3A_172 = arith.addi %add3A_171, %mul3A_168 : i32
      %swap3A = arith.constant 0 : i32
      %swap3A_173 = arith.index_cast %swap3A : i32 to index
      %swap3A_174 = arith.index_cast %add3A_172 : i32 to index
      %swap3A_175 = tpu.vector_load %arg7[%swap3A_173, %swap3A_174] {strides = array<i32>} : memref<1x16384xf32, #tpu.memory_space<vmem>>, vector<16xf32>,
      tpu.vector_store %arg7[%swap3A_173, %swap3A_174], %gather3A {add = true, strides = array<i32>} : memref<1x16384xf32, #tpu.memory_space<vmem>>, vector<16xf32>,
      %scan3A_176 = arith.constant 1 : i32
      %scan3A_177 = arith.addi %scan3A_166, %scan3A_176 : i32
      %mul3A_178 = arith.constant 16 : i32
      %mul3A_179 = arith.muli %scan3A_177, %mul3A_178 : i32
      %get3A_180 = arith.index_cast %mul3A_179 : i32 to index
      %get3A_181 = tpu.vector_load %arg8[%get3A_180] {strides = array<i32>} : memref<4096xi32, #tpu.memory_space<vmem>>, vector<16xi32>,
      %broadcast_in_dim3A_182 = arith.constant 0 : i32
      %broadcast_in_dim3A_183 = vector.broadcast %broadcast_in_dim3A_182 : i32 to vector<16xi32>
      %gather3A_184 = tpu.vector_load_idx %arg6[%broadcast_in_dim3A_183, %get3A_181] : memref<1x100000xf32, #tpu.memory_space<vmem>>[vector<16xi32>, vector<16xi32>], vector<16xf32>,
      %add3A_185 = arith.constant 8192 : i32
      %add3A_186 = arith.addi %add3A_185, %mul3A_179 : i32
      %swap3A_187 = arith.constant 0 : i32
      %swap3A_188 = arith.index_cast %swap3A_187 : i32 to index
      %swap3A_189 = arith.index_cast %add3A_186 : i32 to index
      %swap3A_190 = tpu.vector_load %arg7[%swap3A_188, %swap3A_189] {strides = array<i32>} : memref<1x16384xf32, #tpu.memory_space<vmem>>, vector<16xf32>,
      tpu.vector_store %arg7[%swap3A_188, %swap3A_189], %gather3A_184 {add = true, strides = array<i32>} : memref<1x16384xf32, #tpu.memory_space<vmem>>, vector<16xf32>,
      %scan3A_191 = arith.constant 2 : i32
      %scan3A_192 = arith.addi %scan3A_166, %scan3A_191 : i32
      %mul3A_193 = arith.constant 16 : i32
      %mul3A_194 = arith.muli %scan3A_192, %mul3A_193 : i32
      %get3A_195 = arith.index_cast %mul3A_194 : i32 to index
      %get3A_196 = tpu.vector_load %arg8[%get3A_195] {strides = array<i32>} : memref<4096xi32, #tpu.memory_space<vmem>>, vector<16xi32>,
      %broadcast_in_dim3A_197 = arith.constant 0 : i32
      %broadcast_in_dim3A_198 = vector.broadcast %broadcast_in_dim3A_197 : i32 to vector<16xi32>
      %gather3A_199 = tpu.vector_load_idx %arg6[%broadcast_in_dim3A_198, %get3A_196] : memref<1x100000xf32, #tpu.memory_space<vmem>>[vector<16xi32>, vector<16xi32>], vector<16xf32>,
      %add3A_200 = arith.constant 8192 : i32
      %add3A_201 = arith.addi %add3A_200, %mul3A_194 : i32
      %swap3A_202 = arith.constant 0 : i32
      %swap3A_203 = arith.index_cast %swap3A_202 : i32 to index
      %swap3A_204 = arith.index_cast %add3A_201 : i32 to index
      %swap3A_205 = tpu.vector_load %arg7[%swap3A_203, %swap3A_204] {strides = array<i32>} : memref<1x16384xf32, #tpu.memory_space<vmem>>, vector<16xf32>,
      tpu.vector_store %arg7[%swap3A_203, %swap3A_204], %gather3A_199 {add = true, strides = array<i32>} : memref<1x16384xf32, #tpu.memory_space<vmem>>, vector<16xf32>,
      %scan3A_206 = arith.constant 3 : i32
      %scan3A_207 = arith.addi %scan3A_166, %scan3A_206 : i32
      %mul3A_208 = arith.constant 16 : i32
      %mul3A_209 = arith.muli %scan3A_207, %mul3A_208 : i32
      %get3A_210 = arith.index_cast %mul3A_209 : i32 to index
      %get3A_211 = tpu.vector_load %arg8[%get3A_210] {strides = array<i32>} : memref<4096xi32, #tpu.memory_space<vmem>>, vector<16xi32>,
      %broadcast_in_dim3A_212 = arith.constant 0 : i32
      %broadcast_in_dim3A_213 = vector.broadcast %broadcast_in_dim3A_212 : i32 to vector<16xi32>
      %gather3A_214 = tpu.vector_load_idx %arg6[%broadcast_in_dim3A_213, %get3A_211] : memref<1x100000xf32, #tpu.memory_space<vmem>>[vector<16xi32>, vector<16xi32>], vector<16xf32>,
      %add3A_215 = arith.constant 8192 : i32
      %add3A_216 = arith.addi %add3A_215, %mul3A_209 : i32
      %swap3A_217 = arith.constant 0 : i32
      %swap3A_218 = arith.index_cast %swap3A_217 : i32 to index
      %swap3A_219 = arith.index_cast %add3A_216 : i32 to index
      %swap3A_220 = tpu.vector_load %arg7[%swap3A_218, %swap3A_219] {strides = array<i32>} : memref<1x16384xf32, #tpu.memory_space<vmem>>, vector<16xf32>,
      tpu.vector_store %arg7[%swap3A_218, %swap3A_219], %gather3A_214 {add = true, strides = array<i32>} : memref<1x16384xf32, #tpu.memory_space<vmem>>, vector<16xf32>,
      %scan3A_221 = arith.constant 4 : i32
      %scan3A_222 = arith.addi %scan3A_166, %scan3A_221 : i32
      %mul3A_223 = arith.constant 16 : i32
      %mul3A_224 = arith.muli %scan3A_222, %mul3A_223 : i32
      %get3A_225 = arith.index_cast %mul3A_224 : i32 to index
      %get3A_226 = tpu.vector_load %arg8[%get3A_225] {strides = array<i32>} : memref<4096xi32, #tpu.memory_space<vmem>>, vector<16xi32>,
      %broadcast_in_dim3A_227 = arith.constant 0 : i32
      %broadcast_in_dim3A_228 = vector.broadcast %broadcast_in_dim3A_227 : i32 to vector<16xi32>
      %gather3A_229 = tpu.vector_load_idx %arg6[%broadcast_in_dim3A_228, %get3A_226] : memref<1x100000xf32, #tpu.memory_space<vmem>>[vector<16xi32>, vector<16xi32>], vector<16xf32>,
      %add3A_230 = arith.constant 8192 : i32
      %add3A_231 = arith.addi %add3A_230, %mul3A_224 : i32
      %swap3A_232 = arith.constant 0 : i32
      %swap3A_233 = arith.index_cast %swap3A_232 : i32 to index
      %swap3A_234 = arith.index_cast %add3A_231 : i32 to index
      %swap3A_235 = tpu.vector_load %arg7[%swap3A_233, %swap3A_234] {strides = array<i32>} : memref<1x16384xf32, #tpu.memory_space<vmem>>, vector<16xf32>,
      tpu.vector_store %arg7[%swap3A_233, %swap3A_234], %gather3A_229 {add = true, strides = array<i32>} : memref<1x16384xf32, #tpu.memory_space<vmem>>, vector<16xf32>,
      %scan3A_236 = arith.constant 5 : i32
      %scan3A_237 = arith.addi %scan3A_166, %scan3A_236 : i32
      %mul3A_238 = arith.constant 16 : i32
      %mul3A_239 = arith.muli %scan3A_237, %mul3A_238 : i32
      %get3A_240 = arith.index_cast %mul3A_239 : i32 to index
      %get3A_241 = tpu.vector_load %arg8[%get3A_240] {strides = array<i32>} : memref<4096xi32, #tpu.memory_space<vmem>>, vector<16xi32>,
      %broadcast_in_dim3A_242 = arith.constant 0 : i32
      %broadcast_in_dim3A_243 = vector.broadcast %broadcast_in_dim3A_242 : i32 to vector<16xi32>
      %gather3A_244 = tpu.vector_load_idx %arg6[%broadcast_in_dim3A_243, %get3A_241] : memref<1x100000xf32, #tpu.memory_space<vmem>>[vector<16xi32>, vector<16xi32>], vector<16xf32>,
      %add3A_245 = arith.constant 8192 : i32
      %add3A_246 = arith.addi %add3A_245, %mul3A_239 : i32
      %swap3A_247 = arith.constant 0 : i32
      %swap3A_248 = arith.index_cast %swap3A_247 : i32 to index
      %swap3A_249 = arith.index_cast %add3A_246 : i32 to index
      %swap3A_250 = tpu.vector_load %arg7[%swap3A_248, %swap3A_249] {strides = array<i32>} : memref<1x16384xf32, #tpu.memory_space<vmem>>, vector<16xf32>,
      tpu.vector_store %arg7[%swap3A_248, %swap3A_249], %gather3A_244 {add = true, strides = array<i32>} : memref<1x16384xf32, #tpu.memory_space<vmem>>, vector<16xf32>,
      %scan3A_251 = arith.constant 6 : i32
      %scan3A_252 = arith.addi %scan3A_166, %scan3A_251 : i32
      %mul3A_253 = arith.constant 16 : i32
      %mul3A_254 = arith.muli %scan3A_252, %mul3A_253 : i32
      %get3A_255 = arith.index_cast %mul3A_254 : i32 to index
      %get3A_256 = tpu.vector_load %arg8[%get3A_255] {strides = array<i32>} : memref<4096xi32, #tpu.memory_space<vmem>>, vector<16xi32>,
      %broadcast_in_dim3A_257 = arith.constant 0 : i32
      %broadcast_in_dim3A_258 = vector.broadcast %broadcast_in_dim3A_257 : i32 to vector<16xi32>
      %gather3A_259 = tpu.vector_load_idx %arg6[%broadcast_in_dim3A_258, %get3A_256] : memref<1x100000xf32, #tpu.memory_space<vmem>>[vector<16xi32>, vector<16xi32>], vector<16xf32>,
      %add3A_260 = arith.constant 8192 : i32
      %add3A_261 = arith.addi %add3A_260, %mul3A_254 : i32
      %swap3A_262 = arith.constant 0 : i32
      %swap3A_263 = arith.index_cast %swap3A_262 : i32 to index
      %swap3A_264 = arith.index_cast %add3A_261 : i32 to index
      %swap3A_265 = tpu.vector_load %arg7[%swap3A_263, %swap3A_264] {strides = array<i32>} : memref<1x16384xf32, #tpu.memory_space<vmem>>, vector<16xf32>,
      tpu.vector_store %arg7[%swap3A_263, %swap3A_264], %gather3A_259 {add = true, strides = array<i32>} : memref<1x16384xf32, #tpu.memory_space<vmem>>, vector<16xf32>,
      %scan3A_266 = arith.constant 7 : i32
      %scan3A_267 = arith.addi %scan3A_166, %scan3A_266 : i32
      %mul3A_268 = arith.constant 16 : i32
      %mul3A_269 = arith.muli %scan3A_267, %mul3A_268 : i32
      %get3A_270 = arith.index_cast %mul3A_269 : i32 to index
      %get3A_271 = tpu.vector_load %arg8[%get3A_270] {strides = array<i32>} : memref<4096xi32, #tpu.memory_space<vmem>>, vector<16xi32>,
      %broadcast_in_dim3A_272 = arith.constant 0 : i32
      %broadcast_in_dim3A_273 = vector.broadcast %broadcast_in_dim3A_272 : i32 to vector<16xi32>
      %gather3A_274 = tpu.vector_load_idx %arg6[%broadcast_in_dim3A_273, %get3A_271] : memref<1x100000xf32, #tpu.memory_space<vmem>>[vector<16xi32>, vector<16xi32>], vector<16xf32>,
      %add3A_275 = arith.constant 8192 : i32
      %add3A_276 = arith.addi %add3A_275, %mul3A_269 : i32
      %swap3A_277 = arith.constant 0 : i32
      %swap3A_278 = arith.index_cast %swap3A_277 : i32 to index
      %swap3A_279 = arith.index_cast %add3A_276 : i32 to index
      %swap3A_280 = tpu.vector_load %arg7[%swap3A_278, %swap3A_279] {strides = array<i32>} : memref<1x16384xf32, #tpu.memory_space<vmem>>, vector<16xf32>,
      tpu.vector_store %arg7[%swap3A_278, %swap3A_279], %gather3A_274 {add = true, strides = array<i32>} : memref<1x16384xf32, #tpu.memory_space<vmem>>, vector<16xf32>,
    }
    %scan3A_147 = arith.constant 256 : i32
    %dma_wait3A_148 = arith.constant 12288 : i32
    %dma_wait3A_149 = tpu.memref_slice %arg3[%dma_wait3A_148] : memref<16384xi32, #tpu.memory_space<hbm>> -> memref<4096xi32, #tpu.memory_space<hbm>>
    %dma_wait3A_150 = arith.constant 12288 : i32
    %dma_wait3A_151 = tpu.memref_slice %arg3[%dma_wait3A_150] : memref<16384xi32, #tpu.memory_space<hbm>> -> memref<4096xi32, #tpu.memory_space<hbm>>
    tpu.wait_dma2 semaphore(%arg11 : memref<!tpu.dma_semaphore, #tpu.memory_space<semaphore_mem>>) src(%dma_wait3A_151 : memref<4096xi32, #tpu.memory_space<hbm>>) dst(%arg9 : memref<4096xi32, #tpu.memory_space<vmem>>)
    %scan3A_152 = arith.constant 0 : i32
    %scan3A_153 = arith.constant 0 : i32
    %scan3A_154 = arith.constant 256 : i32
    %scan3A_155 = arith.addi %scan3A_153, %scan3A_154 : i32
    %scan3A_156 = arith.constant 8 : i32
    scf.for %scan3A_166 = %scan3A_153 to %scan3A_155 step %scan3A_156  : i32 {
      %mul3A_167 = arith.constant 16 : i32
      %mul3A_168 = arith.muli %scan3A_166, %mul3A_167 : i32
      %get3A = arith.index_cast %mul3A_168 : i32 to index
      %get3A_169 = tpu.vector_load %arg9[%get3A] {strides = array<i32>} : memref<4096xi32, #tpu.memory_space<vmem>>, vector<16xi32>,
      %broadcast_in_dim3A = arith.constant 0 : i32
      %broadcast_in_dim3A_170 = vector.broadcast %broadcast_in_dim3A : i32 to vector<16xi32>
      %gather3A = tpu.vector_load_idx %arg6[%broadcast_in_dim3A_170, %get3A_169] : memref<1x100000xf32, #tpu.memory_space<vmem>>[vector<16xi32>, vector<16xi32>], vector<16xf32>,
      %add3A_171 = arith.constant 12288 : i32
      %add3A_172 = arith.addi %add3A_171, %mul3A_168 : i32
      %swap3A = arith.constant 0 : i32
      %swap3A_173 = arith.index_cast %swap3A : i32 to index
      %swap3A_174 = arith.index_cast %add3A_172 : i32 to index
      %swap3A_175 = tpu.vector_load %arg7[%swap3A_173, %swap3A_174] {strides = array<i32>} : memref<1x16384xf32, #tpu.memory_space<vmem>>, vector<16xf32>,
      tpu.vector_store %arg7[%swap3A_173, %swap3A_174], %gather3A {add = true, strides = array<i32>} : memref<1x16384xf32, #tpu.memory_space<vmem>>, vector<16xf32>,
      %scan3A_176 = arith.constant 1 : i32
      %scan3A_177 = arith.addi %scan3A_166, %scan3A_176 : i32
      %mul3A_178 = arith.constant 16 : i32
      %mul3A_179 = arith.muli %scan3A_177, %mul3A_178 : i32
      %get3A_180 = arith.index_cast %mul3A_179 : i32 to index
      %get3A_181 = tpu.vector_load %arg9[%get3A_180] {strides = array<i32>} : memref<4096xi32, #tpu.memory_space<vmem>>, vector<16xi32>,
      %broadcast_in_dim3A_182 = arith.constant 0 : i32
      %broadcast_in_dim3A_183 = vector.broadcast %broadcast_in_dim3A_182 : i32 to vector<16xi32>
      %gather3A_184 = tpu.vector_load_idx %arg6[%broadcast_in_dim3A_183, %get3A_181] : memref<1x100000xf32, #tpu.memory_space<vmem>>[vector<16xi32>, vector<16xi32>], vector<16xf32>,
      %add3A_185 = arith.constant 12288 : i32
      %add3A_186 = arith.addi %add3A_185, %mul3A_179 : i32
      %swap3A_187 = arith.constant 0 : i32
      %swap3A_188 = arith.index_cast %swap3A_187 : i32 to index
      %swap3A_189 = arith.index_cast %add3A_186 : i32 to index
      %swap3A_190 = tpu.vector_load %arg7[%swap3A_188, %swap3A_189] {strides = array<i32>} : memref<1x16384xf32, #tpu.memory_space<vmem>>, vector<16xf32>,
      tpu.vector_store %arg7[%swap3A_188, %swap3A_189], %gather3A_184 {add = true, strides = array<i32>} : memref<1x16384xf32, #tpu.memory_space<vmem>>, vector<16xf32>,
      %scan3A_191 = arith.constant 2 : i32
      %scan3A_192 = arith.addi %scan3A_166, %scan3A_191 : i32
      %mul3A_193 = arith.constant 16 : i32
      %mul3A_194 = arith.muli %scan3A_192, %mul3A_193 : i32
      %get3A_195 = arith.index_cast %mul3A_194 : i32 to index
      %get3A_196 = tpu.vector_load %arg9[%get3A_195] {strides = array<i32>} : memref<4096xi32, #tpu.memory_space<vmem>>, vector<16xi32>,
      %broadcast_in_dim3A_197 = arith.constant 0 : i32
      %broadcast_in_dim3A_198 = vector.broadcast %broadcast_in_dim3A_197 : i32 to vector<16xi32>
      %gather3A_199 = tpu.vector_load_idx %arg6[%broadcast_in_dim3A_198, %get3A_196] : memref<1x100000xf32, #tpu.memory_space<vmem>>[vector<16xi32>, vector<16xi32>], vector<16xf32>,
      %add3A_200 = arith.constant 12288 : i32
      %add3A_201 = arith.addi %add3A_200, %mul3A_194 : i32
      %swap3A_202 = arith.constant 0 : i32
      %swap3A_203 = arith.index_cast %swap3A_202 : i32 to index
      %swap3A_204 = arith.index_cast %add3A_201 : i32 to index
      %swap3A_205 = tpu.vector_load %arg7[%swap3A_203, %swap3A_204] {strides = array<i32>} : memref<1x16384xf32, #tpu.memory_space<vmem>>, vector<16xf32>,
      tpu.vector_store %arg7[%swap3A_203, %swap3A_204], %gather3A_199 {add = true, strides = array<i32>} : memref<1x16384xf32, #tpu.memory_space<vmem>>, vector<16xf32>,
      %scan3A_206 = arith.constant 3 : i32
      %scan3A_207 = arith.addi %scan3A_166, %scan3A_206 : i32
      %mul3A_208 = arith.constant 16 : i32
      %mul3A_209 = arith.muli %scan3A_207, %mul3A_208 : i32
      %get3A_210 = arith.index_cast %mul3A_209 : i32 to index
      %get3A_211 = tpu.vector_load %arg9[%get3A_210] {strides = array<i32>} : memref<4096xi32, #tpu.memory_space<vmem>>, vector<16xi32>,
      %broadcast_in_dim3A_212 = arith.constant 0 : i32
      %broadcast_in_dim3A_213 = vector.broadcast %broadcast_in_dim3A_212 : i32 to vector<16xi32>
      %gather3A_214 = tpu.vector_load_idx %arg6[%broadcast_in_dim3A_213, %get3A_211] : memref<1x100000xf32, #tpu.memory_space<vmem>>[vector<16xi32>, vector<16xi32>], vector<16xf32>,
      %add3A_215 = arith.constant 12288 : i32
      %add3A_216 = arith.addi %add3A_215, %mul3A_209 : i32
      %swap3A_217 = arith.constant 0 : i32
      %swap3A_218 = arith.index_cast %swap3A_217 : i32 to index
      %swap3A_219 = arith.index_cast %add3A_216 : i32 to index
      %swap3A_220 = tpu.vector_load %arg7[%swap3A_218, %swap3A_219] {strides = array<i32>} : memref<1x16384xf32, #tpu.memory_space<vmem>>, vector<16xf32>,
      tpu.vector_store %arg7[%swap3A_218, %swap3A_219], %gather3A_214 {add = true, strides = array<i32>} : memref<1x16384xf32, #tpu.memory_space<vmem>>, vector<16xf32>,
      %scan3A_221 = arith.constant 4 : i32
      %scan3A_222 = arith.addi %scan3A_166, %scan3A_221 : i32
      %mul3A_223 = arith.constant 16 : i32
      %mul3A_224 = arith.muli %scan3A_222, %mul3A_223 : i32
      %get3A_225 = arith.index_cast %mul3A_224 : i32 to index
      %get3A_226 = tpu.vector_load %arg9[%get3A_225] {strides = array<i32>} : memref<4096xi32, #tpu.memory_space<vmem>>, vector<16xi32>,
      %broadcast_in_dim3A_227 = arith.constant 0 : i32
      %broadcast_in_dim3A_228 = vector.broadcast %broadcast_in_dim3A_227 : i32 to vector<16xi32>
      %gather3A_229 = tpu.vector_load_idx %arg6[%broadcast_in_dim3A_228, %get3A_226] : memref<1x100000xf32, #tpu.memory_space<vmem>>[vector<16xi32>, vector<16xi32>], vector<16xf32>,
      %add3A_230 = arith.constant 12288 : i32
      %add3A_231 = arith.addi %add3A_230, %mul3A_224 : i32
      %swap3A_232 = arith.constant 0 : i32
      %swap3A_233 = arith.index_cast %swap3A_232 : i32 to index
      %swap3A_234 = arith.index_cast %add3A_231 : i32 to index
      %swap3A_235 = tpu.vector_load %arg7[%swap3A_233, %swap3A_234] {strides = array<i32>} : memref<1x16384xf32, #tpu.memory_space<vmem>>, vector<16xf32>,
      tpu.vector_store %arg7[%swap3A_233, %swap3A_234], %gather3A_229 {add = true, strides = array<i32>} : memref<1x16384xf32, #tpu.memory_space<vmem>>, vector<16xf32>,
      %scan3A_236 = arith.constant 5 : i32
      %scan3A_237 = arith.addi %scan3A_166, %scan3A_236 : i32
      %mul3A_238 = arith.constant 16 : i32
      %mul3A_239 = arith.muli %scan3A_237, %mul3A_238 : i32
      %get3A_240 = arith.index_cast %mul3A_239 : i32 to index
      %get3A_241 = tpu.vector_load %arg9[%get3A_240] {strides = array<i32>} : memref<4096xi32, #tpu.memory_space<vmem>>, vector<16xi32>,
      %broadcast_in_dim3A_242 = arith.constant 0 : i32
      %broadcast_in_dim3A_243 = vector.broadcast %broadcast_in_dim3A_242 : i32 to vector<16xi32>
      %gather3A_244 = tpu.vector_load_idx %arg6[%broadcast_in_dim3A_243, %get3A_241] : memref<1x100000xf32, #tpu.memory_space<vmem>>[vector<16xi32>, vector<16xi32>], vector<16xf32>,
      %add3A_245 = arith.constant 12288 : i32
      %add3A_246 = arith.addi %add3A_245, %mul3A_239 : i32
      %swap3A_247 = arith.constant 0 : i32
      %swap3A_248 = arith.index_cast %swap3A_247 : i32 to index
      %swap3A_249 = arith.index_cast %add3A_246 : i32 to index
      %swap3A_250 = tpu.vector_load %arg7[%swap3A_248, %swap3A_249] {strides = array<i32>} : memref<1x16384xf32, #tpu.memory_space<vmem>>, vector<16xf32>,
      tpu.vector_store %arg7[%swap3A_248, %swap3A_249], %gather3A_244 {add = true, strides = array<i32>} : memref<1x16384xf32, #tpu.memory_space<vmem>>, vector<16xf32>,
      %scan3A_251 = arith.constant 6 : i32
      %scan3A_252 = arith.addi %scan3A_166, %scan3A_251 : i32
      %mul3A_253 = arith.constant 16 : i32
      %mul3A_254 = arith.muli %scan3A_252, %mul3A_253 : i32
      %get3A_255 = arith.index_cast %mul3A_254 : i32 to index
      %get3A_256 = tpu.vector_load %arg9[%get3A_255] {strides = array<i32>} : memref<4096xi32, #tpu.memory_space<vmem>>, vector<16xi32>,
      %broadcast_in_dim3A_257 = arith.constant 0 : i32
      %broadcast_in_dim3A_258 = vector.broadcast %broadcast_in_dim3A_257 : i32 to vector<16xi32>
      %gather3A_259 = tpu.vector_load_idx %arg6[%broadcast_in_dim3A_258, %get3A_256] : memref<1x100000xf32, #tpu.memory_space<vmem>>[vector<16xi32>, vector<16xi32>], vector<16xf32>,
      %add3A_260 = arith.constant 12288 : i32
      %add3A_261 = arith.addi %add3A_260, %mul3A_254 : i32
      %swap3A_262 = arith.constant 0 : i32
      %swap3A_263 = arith.index_cast %swap3A_262 : i32 to index
      %swap3A_264 = arith.index_cast %add3A_261 : i32 to index
      %swap3A_265 = tpu.vector_load %arg7[%swap3A_263, %swap3A_264] {strides = array<i32>} : memref<1x16384xf32, #tpu.memory_space<vmem>>, vector<16xf32>,
      tpu.vector_store %arg7[%swap3A_263, %swap3A_264], %gather3A_259 {add = true, strides = array<i32>} : memref<1x16384xf32, #tpu.memory_space<vmem>>, vector<16xf32>,
      %scan3A_266 = arith.constant 7 : i32
      %scan3A_267 = arith.addi %scan3A_166, %scan3A_266 : i32
      %mul3A_268 = arith.constant 16 : i32
      %mul3A_269 = arith.muli %scan3A_267, %mul3A_268 : i32
      %get3A_270 = arith.index_cast %mul3A_269 : i32 to index
      %get3A_271 = tpu.vector_load %arg9[%get3A_270] {strides = array<i32>} : memref<4096xi32, #tpu.memory_space<vmem>>, vector<16xi32>,
      %broadcast_in_dim3A_272 = arith.constant 0 : i32
      %broadcast_in_dim3A_273 = vector.broadcast %broadcast_in_dim3A_272 : i32 to vector<16xi32>
      %gather3A_274 = tpu.vector_load_idx %arg6[%broadcast_in_dim3A_273, %get3A_271] : memref<1x100000xf32, #tpu.memory_space<vmem>>[vector<16xi32>, vector<16xi32>], vector<16xf32>,
      %add3A_275 = arith.constant 12288 : i32
      %add3A_276 = arith.addi %add3A_275, %mul3A_269 : i32
      %swap3A_277 = arith.constant 0 : i32
      %swap3A_278 = arith.index_cast %swap3A_277 : i32 to index
      %swap3A_279 = arith.index_cast %add3A_276 : i32 to index
      %swap3A_280 = tpu.vector_load %arg7[%swap3A_278, %swap3A_279] {strides = array<i32>} : memref<1x16384xf32, #tpu.memory_space<vmem>>, vector<16xf32>,
      tpu.vector_store %arg7[%swap3A_278, %swap3A_279], %gather3A_274 {add = true, strides = array<i32>} : memref<1x16384xf32, #tpu.memory_space<vmem>>, vector<16xf32>,
    }
    %scan3A_157 = arith.constant 256 : i32
    %dma_start3A_158 = arith.constant 0 : i32
    %dma_start3A_159 = tpu.memref_slice %arg5[%add3A_81, %dma_start3A_158] : memref<64x16384xf32, #tpu.memory_space<hbm>> -> memref<1x16384xf32, #tpu.memory_space<hbm>>
    %dma_start3A_160 = arith.constant 0 : i32
    %dma_start3A_161 = tpu.memref_slice %arg5[%add3A_81, %dma_start3A_160] : memref<64x16384xf32, #tpu.memory_space<hbm>> -> memref<1x16384xf32, #tpu.memory_space<hbm>>
    tpu.enqueue_dma source(%arg7 : memref<1x16384xf32, #tpu.memory_space<vmem>>) target(%dma_start3A_161 : memref<1x16384xf32, #tpu.memory_space<hbm>>) target_semaphore(%arg13 : memref<!tpu.dma_semaphore, #tpu.memory_space<semaphore_mem>>)
    %dma_wait3A_162 = arith.constant 0 : i32
    %dma_wait3A_163 = tpu.memref_slice %arg5[%add3A_81, %dma_wait3A_162] : memref<64x16384xf32, #tpu.memory_space<hbm>> -> memref<1x16384xf32, #tpu.memory_space<hbm>>
    %dma_wait3A_164 = arith.constant 0 : i32
    %dma_wait3A_165 = tpu.memref_slice %arg5[%add3A_81, %dma_wait3A_164] : memref<64x16384xf32, #tpu.memory_space<hbm>> -> memref<1x16384xf32, #tpu.memory_space<hbm>>
    tpu.wait_dma2 semaphore(%arg13 : memref<!tpu.dma_semaphore, #tpu.memory_space<semaphore_mem>>) src(%arg7 : memref<1x16384xf32, #tpu.memory_space<vmem>>) dst(%dma_wait3A_165 : memref<1x16384xf32, #tpu.memory_space<hbm>>)
    return
  }
}

</mosaic_0001>

<sc_bundles>
// kernel: kernel.3.cloned.1.call-start
scs
__scs_entry_jumppad:
0x0: {  	(pc) =	sbr.rel $0x88, $3  }
0x1: {  	(tag) =	ssettag $0x0;
	lr =	simm.s32 $0x1  }
0x2: {  	[smem:$0x3F9E] =	sst lr;
	_ =	strace $0xD0000000  }
0x3: {  	_ = 	snop  }
0x4: {  	_ = 	snop  }
0x5: {  	_ = 	snop  }
0x6: {  	_ = 	snop  }
0x7: {  	_ = 	snop  }
__scs_overlays_trampoline_lowered:
0x8: {  	[smem:$0x3FAD] =	sst s0  }
0x9: {  	[smem:$0x3FAE] =	sst s1  }
0xa: {  	[smem:$0x3FAF] =	sst s2  }
0xb: {  	[smem:$0x3FB0] =	sst s3  }
0xc: {  	[smem:$0x3FB1] =	sst s4  }
0xd: {  	[smem:$0x3FB2] =	sst s5  }
0xe: {  	[smem:$0x3FB3] =	sst s6  }
0xf: {  	[smem:$0x3FB4] =	sst s7  }
0x10: {  	[smem:$0x3FB5] =	sst s8  }
0x11: {  	[smem:$0x3FB6] =	sst s9;
	s0 =	simm.s32 @!p0 $0x0  }
0x12: {  	s1 =	sld [smem:$0x3F9C];
	s0 =	simm.s32 @p0 $0x1  }
0x13: {  	[smem:$0x3FB7] =	sst s0;
	s0 =	simm.s32 @!p1 $0x0  }
0x14: {  	s2 =	sld [smem:$0x3F9B];
	s0 =	simm.s32 @p1 $0x1  }
0x15: {  	[smem:$0x3FB8] =	sst s0;
	s0 =	simm.s32 @!p2 $0x0  }
0x16: {  	s3 =	sld [smem:$0x3FDB];
	s0 =	simm.s32 @p2 $0x1  }
0x17: {  	s4 =	simm.s32 $0x1BF5;
	[smem:$0x3FBA] =	sst s0  }
0x18: {  	s0 =	sld [smem:$0x3F9D];
	_ =	swait.ge [sflag:s4], $0x0  }
0x19: {  	s7 =	sld [smem:$0x3F9E]  }
0x1a: {  	s8 =	sadd.s32 $0xFFFFE003, lr  }
0x1b: {  	s9 =	sadd.s32 $0xFFFFFEF7, lr;
	s5 =	simm.s32 $0xFFFFFFFF;
	p2 =	slt.u32 s8, $0xFFFFF086  }
0x1c: {  	p1 =	slt.u32 s9, $0xF7A;
	s5 =	simm.s32 @!p2 $0x0  }
0x1d: {  	s5 =	simm.s32 @p1 $0x1;
	p0 =	seq.s32 s7, s2  }
0x1e: {  	s7 =	smul.u32 @!p0 $0xF7A, s2;
	p2 =	seq.s32 @!p0 s5, $0x0  }
0x1f: {  	s9 =	smul.u32 $0xF7A, s1;
	s8 =	simm.s32 @!p0 $0x1BF5;
	p2 =	por !p2, p0  }
0x20: {  	[sflag:s8] =	ssyncset.s32 @!p0 $0xFFFFF086;
	s6 =	sadd.s32 @!p0 s3, s7;
	s7 =	simm.s32 @!p0 $0x108  }
0x21: {  	s3 =	sadd.s32 s3, s9;
	s6 =	sadd.s32 @!p0 $0x88, s6;
	s7 =	simm.s32 @p2 $0x1082  }
0x22: {  	[simem:s7], [sflag:s8] =	dma.local @!p0 [hbm:s6], $0xF7A  }
0x23: {  	s9 =	sor.u32 $0xD0000000, s2;
	s6 =	simm.s32 $0x108;
	_ =	swait.ge @!p0 [sflag:s8], $0x0  }
0x24: {  	s3 =	sadd.s32 $0x88, s3;
	s6 =	simm.s32 @!p1 $0x1082;
	[sflag:s4] =	ssyncset.s32 $0xFFFFF086  }
0x25: {  	[simem:s6], [sflag:s4] =	dma.local [hbm:s3], $0xF7A  }
0x26: {  	[smem:$0x3F9E] =	sst s1;
	(tag) =	ssettag s2;
	_ =	strace s9  }
0x27: {  	s1 =	sld [smem:$0x3FAE]  }
0x28: {  	s2 =	sld [smem:$0x3FAF]  }
0x29: {  	s4 =	sld [smem:$0x3FB1]  }
0x2a: {  	p0 =	seq.s32 s5, $0x0;
	s5 =	sld [smem:$0x3FB2]  }
0x2b: {  	s6 =	sld [smem:$0x3FB3]  }
0x2c: {  	s7 =	sld [smem:$0x3FB4]  }
0x2d: {  	s3 =	simm.s32 $0x108;
	s8 =	sld [smem:$0x3FB5]  }
0x2e: {  	s3 =	simm.s32 @!p0 $0x1082;
	s9 =	sld [smem:$0x3FB6]  }
0x2f: {  	lr =	sadd.s32 s0, s3;
	s0 =	sld [smem:$0x3FAD]  }
0x30: {  	s3 =	sld [smem:$0x3FB0]  }
0x31: {  	[smem:$0x3FB9] =	sst s10  }
0x32: {  	s10 =	sld [smem:$0x3FB7];
	_ =	sdelay $0x3  }
0x33: {  	p0 =	seq.s32 s10, $0x1;
	s10 =	sld [smem:$0x3FB9];
	_ =	sdelay $0x3  }
0x34: {  	[smem:$0x3FB9] =	sst s10  }
0x35: {  	s10 =	sld [smem:$0x3FB8];
	_ =	sdelay $0x3  }
0x36: {  	p1 =	seq.s32 s10, $0x1;
	s10 =	sld [smem:$0x3FB9];
	_ =	sdelay $0x3  }
0x37: {  	[smem:$0x3FB9] =	sst s10  }
0x38: {  	s10 =	sld [smem:$0x3FBA]  }
0x39: {  	_ = 	snop;
	(pc) =	sbr.ind lr, $3  }
0x3a: {  	_ = 	snop  }
0x3b: {  	_ = 	snop  }
0x3c: {  	p2 =	seq.s32 s10, $0x1;
	s10 =	sld [smem:$0x3FB9]  }
0x3d: {  	_ =	shalt  }
0x3e: {  	_ =	shalt  }
0x3f: {  	_ =	shalt  }
0x40: {  	_ =	shalt  }
0x41: {  	_ =	shalt  }
0x42: {  	_ =	shalt  }
0x43: {  	_ =	shalt  }
0x44: {  	_ =	shalt  }
0x45: {  	_ =	shalt  }
0x46: {  	_ =	shalt  }
0x47: {  	_ =	shalt  }
0x48: {  	_ =	shalt  }
0x49: {  	_ =	shalt  }
0x4a: {  	_ =	shalt  }
0x4b: {  	_ =	shalt  }
0x4c: {  	_ =	shalt  }
0x4d: {  	_ =	shalt  }
0x4e: {  	_ =	shalt  }
0x4f: {  	_ =	shalt  }
0x50: {  	_ =	shalt  }
0x51: {  	_ =	shalt  }
0x52: {  	_ =	shalt  }
0x53: {  	_ =	shalt  }
0x54: {  	_ =	shalt  }
0x55: {  	_ =	shalt  }
0x56: {  	_ =	shalt  }
0x57: {  	_ =	shalt  }
0x58: {  	_ =	shalt  }
0x59: {  	_ =	shalt  }
0x5a: {  	_ =	shalt  }
0x5b: {  	_ =	shalt  }
0x5c: {  	_ =	shalt  }
0x5d: {  	_ =	shalt  }
0x5e: {  	_ =	shalt  }
0x5f: {  	_ =	shalt  }
0x60: {  	_ =	shalt  }
0x61: {  	_ =	shalt  }
0x62: {  	_ =	shalt  }
0x63: {  	_ =	shalt  }
0x64: {  	_ =	shalt  }
0x65: {  	_ =	shalt  }
0x66: {  	_ =	shalt  }
0x67: {  	_ =	shalt  }
0x68: {  	_ =	shalt  }
0x69: {  	_ =	shalt  }
0x6a: {  	_ =	shalt  }
0x6b: {  	_ =	shalt  }
0x6c: {  	_ =	shalt  }
0x6d: {  	_ =	shalt  }
0x6e: {  	_ =	shalt  }
0x6f: {  	_ =	shalt  }
0x70: {  	_ =	shalt  }
0x71: {  	_ =	shalt  }
0x72: {  	_ =	shalt  }
0x73: {  	_ =	shalt  }
0x74: {  	_ =	shalt  }
0x75: {  	_ =	shalt  }
0x76: {  	_ =	shalt  }
0x77: {  	_ =	shalt  }
0x78: {  	_ =	shalt  }
0x79: {  	_ =	shalt  }
0x7a: {  	_ =	shalt  }
0x7b: {  	_ =	shalt  }
0x7c: {  	_ =	shalt  }
0x7d: {  	_ =	shalt  }
0x7e: {  	_ =	shalt  }
0x7f: {  	_ =	shalt  }
0x80: {  	_ =	shalt  }
0x81: {  	_ =	shalt  }
0x82: {  	_ =	shalt  }
0x83: {  	_ =	shalt  }
0x84: {  	_ =	shalt  }
0x85: {  	_ =	shalt  }
0x86: {  	_ =	shalt  }
0x87: {  	_ =	shalt  }
.Lfunc_end0:
.L_simem_size_0:
called_computation_lowered:
.L_overlay_start_0:
0x88: {  	s2 =	sld [smem:$0x3FD9]  }
0x89: {  	s3 =	sld [smem:$0x3FFE];
	_ =	sdelay $0x1  }
0x8a: {  	s1 =	srdreg.scid  }
0x8b: {  	s0 =	sand.u32 $0x1, s1  }
0x8c: {  	s18 =	sshll.u32 s0, $0xA;
	s2 =	sadd.s32 s3, s2  }
0x8d: {  	s2 =	sadd.s32 s2, s18  }
0x8e: {  	[smem:$0x3FC5] =	sst s2  }
0x8f: {  	_ = 	snop  }
0x90: {  	s2 =	sld [smem:$0x3FC9]  }
0x91: {  	s19 =	sld [smem:$0x3FC8]  }
0x92: {  	s4 =	sld [smem:$0x3FC7]  }
0x93: {  	s5 =	sld [smem:$0x3FD0];
	(tm) =	ssettm $0x1  }
0x94: {  	s6 =	sld [smem:$0x3FFB];
	_ =	sdelay $0x3  }
0x95: {  	_ =	strace s6  }
0x96: {  	s6 =	sld [smem:$0x3FFC];
	_ =	sdelay $0x3  }
0x97: {  	_ =	strace s6  }
0x98: {  	s6 =	sld [smem:$0x3FFD];
	_ =	sdelay $0x3  }
0x99: {  	_ =	strace s6  }
0x9a: {  	_ =	strace $0x8FFFFFFF  }
0x9b: {  	s20 =	sld [smem:$0x3FDB];
	_ =	sdelay $0x1  }
0x9c: {  	s7 =	simm.s32 $_scs_section_size  }
0x9d: {  	s8 =	simm.s32 $_size__tile_overlayer_lowered;
	s9 =	simm.s32 $_tile_overlayer_lowered  }
0x9e: {  	s23 =	simm.s32 $0x1BFF;
	s22 =	sshll.u32 s9, $0x1;
	s6 =	sadd.s32 s7, s20  }
0x9f: {  	s10 =	simm.s32 $0x0;
	s21 =	sshll.u32 s8, $0x1;
	s8 =	sadd.s32 s22, s6  }
0xa0: {  	[timem:s10], [sflag:s23] =	dma.local [hbm:s8], s21  }
0xa1: {  	_ =	swait.ge [sflag:s23], s21  }
0xa2: {  	s7 =	ssub.s32 $0x0, s21;
	[sflag:s23] =	ssyncset.done $0x0  }
0xa3: {  	[sflag:s23] =	ssyncadd.s32 s7;
	_ =	sdelay $0x1  }
0xa4: {  	s24 =	simm.s32 $0x1B8B  }
0xa5: {  	_ =	swait.ge [sflag:s24], $0x1  }
0xa6: {  	[sflag:s24] =	ssyncset.done $0x0  }
0xa7: {  	s25 =	simm.s32 $0x1B8E;
	[sflag:s24] =	ssyncadd.s32 $0xFFFFFFFF  }
0xa8: {  	s26 =	simm.s32 $execute0_lowered;
	[smem:$0x3FD2] =	sst s25  }
0xa9: {  	s7 =	sshll.u32 s26, $0x1;
	_ =	strace $0x80000046;
	[dreg:$0x1] =	wrdreg $0xFFFFFFFF  }
0xaa: {  	s28 =	simm.s32 $_size_execute0_lowered;
	s6 =	sadd.s32 s6, s7;
	[dreg:$0x0] =	wrdreg $0x0  }
0xab: {  	s7 =	sshll.u32 s28, $0x1;
	[dreg:$0x2] =	wrdreg s6  }
0xac: {  	[dreg:$0x3] =	wrdreg s7  }
0xad: {  	[dreg:$0x4] =	wrdreg $0xC0  }
0xae: {  	_ =	task [dreg:s10], $0x5FFFF  }
0xaf: {  	[dreg:$0x1] =	wrdreg $0xFFFFFFFF  }
0xb0: {  	[dreg:$0x0] =	wrdreg $0x60  }
0xb1: {  	[dreg:$0x2] =	wrdreg s2  }
0xb2: {  	[dreg:$0x3] =	wrdreg s19  }
0xb3: {  	[dreg:$0x4] =	wrdreg s4  }
0xb4: {  	[dreg:$0x5] =	wrdreg s5  }
0xb5: {  	[dreg:$0x6] =	wrdreg $0x9  }
0xb6: {  	_ =	task.clear_ibuf [dreg:s10], $0x7FFFF;
	_ =	strace $0x90000046  }
0xb7: {  	s29 =	simm.s32 $0x9;
	_ =	strace $0x80000048  }
0xb8: {  	_ =	swait.ge [sflag:s29], $0x1  }
0xb9: {  	[sflag:s29] =	ssyncadd.s32 $0xFFFFFFFF  }
0xba: {  	_ =	strace $0x90000048  }
0xbb: {  	_ =	sfence  }
0xbc: {  	s30 =	sld [smem:$0x0];
	_ =	sdelay $0x2  }
0xbd: {  	s31 =	sshll.u32 s1, $0xD;
	s1 =	sshrl.u32 s1, $0x2  }
0xbe: {  	s3 =	sand.u32 $0x4000, s31;
	s1 =	sadd.s32 s1, s30  }
0xbf: {  	s0 =	sor.u32 s3, s0;
	s1 =	sshll.u32 s1, $0x11  }
0xc0: {  	s0 =	sor.u32 s1, s0  }
0xc1: {  	s0 =	sadd.s32 $0x8F2B, s0  }
0xc2: {  	[sflag:s0] =	ssyncadd.remote.s32 $0x1  }
0xc3: {  	_ =	sfence.sel $0xFFFF  }
0xc4: {  	[dreg:$0x0] =	wrdreg $0xFFFFFFFF;
	(pc) =	sbr.abs _section_cstart, $3  }
0xc5: {  	[dreg:$0x1] =	wrdreg $0xFFFFFFFF  }
0xc6: {  	_ =	task.clear_ibuf [dreg:s10], $0x2FFFF;
	_ =	strace $0x9FFFFFFF  }
0xc7: {  	(tm) =	ssettm $0x7FFFFFFF  }
tec
execute0_lowered:
.L_overlay_start_1:
0x0: {  	(tag) =	ssettag $0x1  }
0x1: {  	s11 =	rddreg [dreg:$0x0]  }
0x2: {  	s1 =	rddreg [dreg:$0x1]  }
0x3: {  	s10 =	rddreg [dreg:$0x2]  }
0x4: {  	s12 =	rddreg [dreg:$0x3]  }
0x5: {  	s0 =	rddreg [dreg:$0x4]  }
0x6: {  	s3 =	simm.s32 $0x0;
	s4 =	srdreg.scid;
	s2 =	stileid.u32  }
0x7: {  	s17 =	simm.s32 $0x1C700;
	s18 =	simm.s32 $0x3;
	s19 =	simm.s32 $0x4  }
0x8: {  	s20 =	simm.s32 $0x1D700;
	s21 =	simm.s32 $0x1;
	s22 =	simm.s32 $0x2  }
0x9: {  	s23 =	simm.s32 $0x0;
	[smem:$0x7FF] =	sst s3;
	s4 =	sand.u32 $0x1, s4  }
0xa: {  	s5 =	sshll.u32 s2, $0x9;
	s6 =	sshrl.u32 s2, $0x1;
	s7 =	sshll.u32 s4, $0x8  }
0xb: {  	s8 =	smul.u32 $0xC3800, s6;
	s5 =	sand.u32 $0x200, s5;
	_ =	strace $0x80000047  }
0xc: {  	s4 =	ssub.s32 $0x2, s4;
	s9 =	sshll.u32 s6, $0x11;
	s7 =	sor.u32 s7, s5  }
0xd: {  	s6 =	sadd.s32 $0x200, s1;
	s29 =	sshrl.u32 s4, $0x1;
	s5 =	sor.u32 s8, s7  }
0xe: {  	s13 =	sor.u32 s9, s7;
	s14 =	ssub.s32 s4, s29;
	s15 =	sor.u32 $0x80, s7  }
0xf: {  	s7 =	sadd.s32 $0x400, s1;
	s5 =	sshrl.u32 s5, $0x3;
	s13 =	sshrl.u32 s13, $0x3  }
0x10: {  	s16 =	sor.u32 s8, s15;
	s9 =	sor.u32 s9, s15;
	s8 =	sadd.s32 $0x600, s1  }
0x11: {  	s15 =	simm.s32 $0x400;
	s4 =	sadd.s32 s10, s5;
	s5 =	sadd.s32 s11, s13  }
0x12: {  	s30 =	sshrl.u32 s16, $0x3;
	s31 =	sshrl.u32 s9, $0x3;
	s9 =	sadd.s32 s12, s13  }
0x13: {  	s13 =	smax.u32 s14, $0x1;
	s14 =	simm.s32 $0x80;
	s16 =	simm.s32 $0x18700  }
0x14: {  	s10 =	sadd.s32 s10, s30;
	s11 =	sadd.s32 s11, s31;
	s12 =	sadd.s32 s12, s31  }
.LBB2_1:
0x15: {  	[tilespmem:s3], [sflag:$0x3] =	stream.strided.gather [hbm4b:s4+s14], $0x18700, s15, s14, $0x38;
	[tilespmem:$0x1E700] =	vst v63  }
0x16: {  	_ = 	snop  }
0x17: {  	[tilespmem:s16], [sflag:$0x4] =	stream.strided.gather [hbm4b:s5+s14], $0x4000, s15, s14, $0x38;
	[tilespmem:$0x1E700] =	vst v63  }
0x18: {  	_ = 	snop  }
0x19: {  	[tilespmem:s17], [sflag:$0x1] =	stream.linear.gather [hbm4b:s1+s3], $0x1000, $0x38;
	[tilespmem:$0x1E700] =	vst v63  }
0x1a: {  	_ =	swait.ge [sflag:s18], $0x18700  }
0x1b: {  	[sflag:s18] =	ssyncset.done $0x0  }
0x1c: {  	[sflag:s18] =	ssyncadd.s32 $0xFFFE7900  }
0x1d: {  	_ =	swait.ge [sflag:s19], $0x4000  }
0x1e: {  	[sflag:s19] =	ssyncset.done $0x0  }
0x1f: {  	[sflag:s19] =	ssyncadd.s32 $0xFFFFC000  }
0x20: {  	[tilespmem:s20], [sflag:$0x2] =	stream.linear.gather [hbm4b:s6+s3], $0x1000, $0x38;
	[tilespmem:$0x1E700] =	vst v63  }
0x21: {  	_ =	swait.ge [sflag:s21], $0x1000  }
0x22: {  	[sflag:s21] =	ssyncset.done $0x0  }
0x23: {  	s24 =	simm.s32 $0x0;
	[sflag:s21] =	ssyncadd.s32 $0xFFFFF000  }
0x24: {  	v0 =	vld [tilespmem:s24+$0x1C700];
	_ =	sdelay $0x5  }
0x25: {  	v1 =	vld [tilespmem:s24+$0x1C710];
	_ =	sdelay $0x1  }
0x26: {  	v0 =	vld.idx.msk [tilespmem:v0+s3+$0x0], $0xffff;
	_ =	sdelay $0x3  }
0x27: {  	v2 =	vld [tilespmem:s24+$0x1C720]  }
0x28: {  	[tilespmem:s24+$0x18700] =	vst.add.f32.msk $0xffff, v0  }
0x29: {  	v0 =	vld.idx.msk [tilespmem:v1+s3+$0x0], $0xffff;
	_ =	sdelay $0x3  }
0x2a: {  	v1 =	vld [tilespmem:s24+$0x1C730]  }
0x2b: {  	[tilespmem:s24+$0x18710] =	vst.add.f32.msk $0xffff, v0  }
0x2c: {  	v0 =	vld.idx.msk [tilespmem:v2+s3+$0x0], $0xffff;
	_ =	sdelay $0x3  }
0x2d: {  	v2 =	vld [tilespmem:s24+$0x1C740]  }
0x2e: {  	[tilespmem:s24+$0x18720] =	vst.add.f32.msk $0xffff, v0  }
0x2f: {  	v0 =	vld.idx.msk [tilespmem:v1+s3+$0x0], $0xffff;
	_ =	sdelay $0x3  }
0x30: {  	v1 =	vld [tilespmem:s24+$0x1C750]  }
0x31: {  	[tilespmem:s24+$0x18730] =	vst.add.f32.msk $0xffff, v0  }
0x32: {  	v0 =	vld.idx.msk [tilespmem:v2+s3+$0x0], $0xffff;
	_ =	sdelay $0x3  }
0x33: {  	v2 =	vld [tilespmem:s24+$0x1C760]  }
0x34: {  	[tilespmem:s24+$0x18740] =	vst.add.f32.msk $0xffff, v0  }
0x35: {  	v1 =	vld.idx.msk [tilespmem:v1+s3+$0x0], $0xffff;
	_ =	sdelay $0x3  }
0x36: {  	v0 =	vld [tilespmem:s24+$0x1C770]  }
0x37: {  	[tilespmem:s24+$0x18750] =	vst.add.f32.msk $0xffff, v1  }
0x38: {  	v1 =	vld.idx.msk [tilespmem:v2+s3+$0x0], $0xffff;
	_ =	sdelay $0x1  }
0x39: {  	s25 =	simm.s32 $0x0;
	s26 =	simm.s32 $0x200  }
.LBB2_2:
0x3a: {  	s28 =	sshra.s32 s26, $0x2  }
0x3b: {  	s25 =	sadd.s32 $0x8, s25;
	v2 =	vld [tilespmem:s28+$0x1C700]  }
0x3c: {  	p0 =	slt.u32 s25, $0xF8;
	[tilespmem:s24+$0x18760] =	vst.add.f32.msk $0xffff, v1  }
0x3d: {  	v0 =	vld.idx.msk [tilespmem:v0+s3+$0x0], $0xffff;
	_ =	sdelay $0x4  }
0x3e: {  	v1 =	vld [tilespmem:s28+$0x1C710]  }
0x3f: {  	[tilespmem:s24+$0x18770] =	vst.add.f32.msk $0xffff, v0;
	s24 =	smov.u32 s28  }
0x40: {  	v0 =	vld.idx.msk [tilespmem:v2+s3+$0x0], $0xffff;
	_ =	sdelay $0x4  }
0x41: {  	v2 =	vld [tilespmem:s24+$0x1C720]  }
0x42: {  	[tilespmem:s24+$0x18700] =	vst.add.f32.msk $0xffff, v0  }
0x43: {  	v0 =	vld.idx.msk [tilespmem:v1+s3+$0x0], $0xffff;
	_ =	sdelay $0x4  }
0x44: {  	v1 =	vld [tilespmem:s24+$0x1C730]  }
0x45: {  	[tilespmem:s24+$0x18710] =	vst.add.f32.msk $0xffff, v0  }
0x46: {  	v0 =	vld.idx.msk [tilespmem:v2+s3+$0x0], $0xffff;
	_ =	sdelay $0x4  }
0x47: {  	v2 =	vld [tilespmem:s24+$0x1C740]  }
0x48: {  	[tilespmem:s24+$0x18720] =	vst.add.f32.msk $0xffff, v0  }
0x49: {  	v0 =	vld.idx.msk [tilespmem:v1+s3+$0x0], $0xffff;
	_ =	sdelay $0x4  }
0x4a: {  	v1 =	vld [tilespmem:s24+$0x1C750]  }
0x4b: {  	[tilespmem:s24+$0x18730] =	vst.add.f32.msk $0xffff, v0  }
0x4c: {  	v0 =	vld.idx.msk [tilespmem:v2+s3+$0x0], $0xffff;
	_ =	sdelay $0x4  }
0x4d: {  	v2 =	vld [tilespmem:s24+$0x1C760]  }
0x4e: {  	[tilespmem:s24+$0x18740] =	vst.add.f32.msk $0xffff, v0  }
0x4f: {  	v1 =	vld.idx.msk [tilespmem:v1+s3+$0x0], $0xffff;
	_ =	sdelay $0x4  }
0x50: {  	v0 =	vld [tilespmem:s24+$0x1C770]  }
.Ltmp0:
0x51: {  	[tilespmem:s24+$0x18750] =	vst.add.f32.msk $0xffff, v1;
	(pc) =	sbr.rel @p0 .LBB2_2-.Ltmp0, $2  }
0x52: {  	v1 =	vld.idx.msk [tilespmem:v2+s3+$0x0], $0xffff;
	_ =	sdelay $0x2  }
0x53: {  	s26 =	sadd.s32 $0x200, s26  }
0x54: {  	_ =	sdelay $0x2  }
0x55: {  	[tilespmem:s24+$0x18760] =	vst.add.f32.msk $0xffff, v1  }
0x56: {  	v0 =	vld.idx.msk [tilespmem:v0+s3+$0x0], $0xffff;
	_ =	sdelay $0x4  }
0x57: {  	s31 =	simm.s32 $0x0;
	[tilespmem:s24+$0x18770] =	vst.add.f32.msk $0xffff, v0  }
0x58: {  	[tilespmem:s17], [sflag:$0x1] =	stream.linear.gather [hbm4b:s7+s31], $0x1000, $0x38;
	[tilespmem:$0x1E700] =	vst v63  }
0x59: {  	_ =	swait.ge [sflag:s22], $0x1000  }
0x5a: {  	[sflag:s22] =	ssyncset.done $0x0  }
0x5b: {  	s24 =	simm.s32 $0x0;
	[sflag:s22] =	ssyncadd.s32 $0xFFFFF000  }
0x5c: {  	v0 =	vld [tilespmem:s24+$0x1D700];
	_ =	sdelay $0x5  }
0x5d: {  	v1 =	vld [tilespmem:s24+$0x1D710];
	_ =	sdelay $0x1  }
0x5e: {  	v0 =	vld.idx.msk [tilespmem:v0+s3+$0x0], $0xffff;
	_ =	sdelay $0x3  }
0x5f: {  	v2 =	vld [tilespmem:s24+$0x1D720]  }
0x60: {  	[tilespmem:s24+$0x19700] =	vst.add.f32.msk $0xffff, v0  }
0x61: {  	v0 =	vld.idx.msk [tilespmem:v1+s3+$0x0], $0xffff;
	_ =	sdelay $0x3  }
0x62: {  	v1 =	vld [tilespmem:s24+$0x1D730]  }
0x63: {  	[tilespmem:s24+$0x19710] =	vst.add.f32.msk $0xffff, v0  }
0x64: {  	v0 =	vld.idx.msk [tilespmem:v2+s3+$0x0], $0xffff;
	_ =	sdelay $0x3  }
0x65: {  	v2 =	vld [tilespmem:s24+$0x1D740]  }
0x66: {  	[tilespmem:s24+$0x19720] =	vst.add.f32.msk $0xffff, v0  }
0x67: {  	v0 =	vld.idx.msk [tilespmem:v1+s3+$0x0], $0xffff;
	_ =	sdelay $0x3  }
0x68: {  	v1 =	vld [tilespmem:s24+$0x1D750]  }
0x69: {  	[tilespmem:s24+$0x19730] =	vst.add.f32.msk $0xffff, v0  }
0x6a: {  	v0 =	vld.idx.msk [tilespmem:v2+s3+$0x0], $0xffff;
	_ =	sdelay $0x3  }
0x6b: {  	v2 =	vld [tilespmem:s24+$0x1D760]  }
0x6c: {  	[tilespmem:s24+$0x19740] =	vst.add.f32.msk $0xffff, v0  }
0x6d: {  	v1 =	vld.idx.msk [tilespmem:v1+s3+$0x0], $0xffff;
	_ =	sdelay $0x3  }
0x6e: {  	v0 =	vld [tilespmem:s24+$0x1D770]  }
0x6f: {  	[tilespmem:s24+$0x19750] =	vst.add.f32.msk $0xffff, v1  }
0x70: {  	v1 =	vld.idx.msk [tilespmem:v2+s3+$0x0], $0xffff;
	_ =	sdelay $0x1  }
0x71: {  	s25 =	simm.s32 $0x0;
	s26 =	simm.s32 $0x200  }
.LBB2_4:
0x72: {  	s28 =	sshra.s32 s26, $0x2  }
0x73: {  	s25 =	sadd.s32 $0x8, s25;
	v2 =	vld [tilespmem:s28+$0x1D700]  }
0x74: {  	p0 =	slt.u32 s25, $0xF8;
	[tilespmem:s24+$0x19760] =	vst.add.f32.msk $0xffff, v1  }
0x75: {  	v0 =	vld.idx.msk [tilespmem:v0+s3+$0x0], $0xffff;
	_ =	sdelay $0x4  }
0x76: {  	v1 =	vld [tilespmem:s28+$0x1D710]  }
0x77: {  	[tilespmem:s24+$0x19770] =	vst.add.f32.msk $0xffff, v0;
	s24 =	smov.u32 s28  }
0x78: {  	v0 =	vld.idx.msk [tilespmem:v2+s3+$0x0], $0xffff;
	_ =	sdelay $0x4  }
0x79: {  	v2 =	vld [tilespmem:s24+$0x1D720]  }
0x7a: {  	[tilespmem:s24+$0x19700] =	vst.add.f32.msk $0xffff, v0  }
0x7b: {  	v0 =	vld.idx.msk [tilespmem:v1+s3+$0x0], $0xffff;
	_ =	sdelay $0x4  }
0x7c: {  	v1 =	vld [tilespmem:s24+$0x1D730]  }
0x7d: {  	[tilespmem:s24+$0x19710] =	vst.add.f32.msk $0xffff, v0  }
0x7e: {  	v0 =	vld.idx.msk [tilespmem:v2+s3+$0x0], $0xffff;
	_ =	sdelay $0x4  }
0x7f: {  	v2 =	vld [tilespmem:s24+$0x1D740]  }
0x80: {  	[tilespmem:s24+$0x19720] =	vst.add.f32.msk $0xffff, v0  }
0x81: {  	v0 =	vld.idx.msk [tilespmem:v1+s3+$0x0], $0xffff;
	_ =	sdelay $0x4  }
0x82: {  	v1 =	vld [tilespmem:s24+$0x1D750]  }
0x83: {  	[tilespmem:s24+$0x19730] =	vst.add.f32.msk $0xffff, v0  }
0x84: {  	v0 =	vld.idx.msk [tilespmem:v2+s3+$0x0], $0xffff;
	_ =	sdelay $0x4  }
0x85: {  	v2 =	vld [tilespmem:s24+$0x1D760]  }
0x86: {  	[tilespmem:s24+$0x19740] =	vst.add.f32.msk $0xffff, v0  }
0x87: {  	v1 =	vld.idx.msk [tilespmem:v1+s3+$0x0], $0xffff;
	_ =	sdelay $0x4  }
0x88: {  	v0 =	vld [tilespmem:s24+$0x1D770]  }
.Ltmp1:
0x89: {  	[tilespmem:s24+$0x19750] =	vst.add.f32.msk $0xffff, v1;
	(pc) =	sbr.rel @p0 .LBB2_4-.Ltmp1, $2  }
0x8a: {  	v1 =	vld.idx.msk [tilespmem:v2+s3+$0x0], $0xffff;
	_ =	sdelay $0x2  }
0x8b: {  	s26 =	sadd.s32 $0x200, s26  }
0x8c: {  	_ =	sdelay $0x2  }
0x8d: {  	[tilespmem:s24+$0x19760] =	vst.add.f32.msk $0xffff, v1  }
0x8e: {  	v0 =	vld.idx.msk [tilespmem:v0+s3+$0x0], $0xffff;
	_ =	sdelay $0x4  }
0x8f: {  	s31 =	simm.s32 $0x0;
	[tilespmem:s24+$0x19770] =	vst.add.f32.msk $0xffff, v0  }
0x90: {  	[tilespmem:s20], [sflag:$0x2] =	stream.linear.gather [hbm4b:s8+s31], $0x1000, $0x38;
	[tilespmem:$0x1E700] =	vst v63  }
0x91: {  	_ =	swait.ge [sflag:s21], $0x1000  }
0x92: {  	[sflag:s21] =	ssyncset.done $0x0  }
0x93: {  	s24 =	simm.s32 $0x0;
	[sflag:s21] =	ssyncadd.s32 $0xFFFFF000  }
0x94: {  	v0 =	vld [tilespmem:s24+$0x1C700];
	_ =	sdelay $0x5  }
0x95: {  	v1 =	vld [tilespmem:s24+$0x1C710];
	_ =	sdelay $0x1  }
0x96: {  	v0 =	vld.idx.msk [tilespmem:v0+s3+$0x0], $0xffff;
	_ =	sdelay $0x3  }
0x97: {  	v2 =	vld [tilespmem:s24+$0x1C720]  }
0x98: {  	[tilespmem:s24+$0x1A700] =	vst.add.f32.msk $0xffff, v0  }
0x99: {  	v0 =	vld.idx.msk [tilespmem:v1+s3+$0x0], $0xffff;
	_ =	sdelay $0x3  }
0x9a: {  	v1 =	vld [tilespmem:s24+$0x1C730]  }
0x9b: {  	[tilespmem:s24+$0x1A710] =	vst.add.f32.msk $0xffff, v0  }
0x9c: {  	v0 =	vld.idx.msk [tilespmem:v2+s3+$0x0], $0xffff;
	_ =	sdelay $0x3  }
0x9d: {  	v2 =	vld [tilespmem:s24+$0x1C740]  }
0x9e: {  	[tilespmem:s24+$0x1A720] =	vst.add.f32.msk $0xffff, v0  }
0x9f: {  	v0 =	vld.idx.msk [tilespmem:v1+s3+$0x0], $0xffff;
	_ =	sdelay $0x3  }
0xa0: {  	v1 =	vld [tilespmem:s24+$0x1C750]  }
0xa1: {  	[tilespmem:s24+$0x1A730] =	vst.add.f32.msk $0xffff, v0  }
0xa2: {  	v0 =	vld.idx.msk [tilespmem:v2+s3+$0x0], $0xffff;
	_ =	sdelay $0x3  }
0xa3: {  	v2 =	vld [tilespmem:s24+$0x1C760]  }
0xa4: {  	[tilespmem:s24+$0x1A740] =	vst.add.f32.msk $0xffff, v0  }
0xa5: {  	v1 =	vld.idx.msk [tilespmem:v1+s3+$0x0], $0xffff;
	_ =	sdelay $0x3  }
0xa6: {  	v0 =	vld [tilespmem:s24+$0x1C770]  }
0xa7: {  	[tilespmem:s24+$0x1A750] =	vst.add.f32.msk $0xffff, v1  }
0xa8: {  	v1 =	vld.idx.msk [tilespmem:v2+s3+$0x0], $0xffff;
	_ =	sdelay $0x1  }
0xa9: {  	s25 =	simm.s32 $0x0;
	s26 =	simm.s32 $0x200  }
.LBB2_6:
0xaa: {  	s28 =	sshra.s32 s26, $0x2  }
0xab: {  	s25 =	sadd.s32 $0x8, s25;
	v2 =	vld [tilespmem:s28+$0x1C700]  }
0xac: {  	p0 =	slt.u32 s25, $0xF8;
	[tilespmem:s24+$0x1A760] =	vst.add.f32.msk $0xffff, v1  }
0xad: {  	v0 =	vld.idx.msk [tilespmem:v0+s3+$0x0], $0xffff;
	_ =	sdelay $0x4  }
0xae: {  	v1 =	vld [tilespmem:s28+$0x1C710]  }
0xaf: {  	[tilespmem:s24+$0x1A770] =	vst.add.f32.msk $0xffff, v0;
	s24 =	smov.u32 s28  }
0xb0: {  	v0 =	vld.idx.msk [tilespmem:v2+s3+$0x0], $0xffff;
	_ =	sdelay $0x4  }
0xb1: {  	v2 =	vld [tilespmem:s24+$0x1C720]  }
0xb2: {  	[tilespmem:s24+$0x1A700] =	vst.add.f32.msk $0xffff, v0  }
0xb3: {  	v0 =	vld.idx.msk [tilespmem:v1+s3+$0x0], $0xffff;
	_ =	sdelay $0x4  }
0xb4: {  	v1 =	vld [tilespmem:s24+$0x1C730]  }
0xb5: {  	[tilespmem:s24+$0x1A710] =	vst.add.f32.msk $0xffff, v0  }
0xb6: {  	v0 =	vld.idx.msk [tilespmem:v2+s3+$0x0], $0xffff;
	_ =	sdelay $0x4  }
0xb7: {  	v2 =	vld [tilespmem:s24+$0x1C740]  }
0xb8: {  	[tilespmem:s24+$0x1A720] =	vst.add.f32.msk $0xffff, v0  }
0xb9: {  	v0 =	vld.idx.msk [tilespmem:v1+s3+$0x0], $0xffff;
	_ =	sdelay $0x4  }
0xba: {  	v1 =	vld [tilespmem:s24+$0x1C750]  }
0xbb: {  	[tilespmem:s24+$0x1A730] =	vst.add.f32.msk $0xffff, v0  }
0xbc: {  	v0 =	vld.idx.msk [tilespmem:v2+s3+$0x0], $0xffff;
	_ =	sdelay $0x4  }
0xbd: {  	v2 =	vld [tilespmem:s24+$0x1C760]  }
0xbe: {  	[tilespmem:s24+$0x1A740] =	vst.add.f32.msk $0xffff, v0  }
0xbf: {  	v1 =	vld.idx.msk [tilespmem:v1+s3+$0x0], $0xffff;
	_ =	sdelay $0x4  }
0xc0: {  	v0 =	vld [tilespmem:s24+$0x1C770]  }
.Ltmp2:
0xc1: {  	[tilespmem:s24+$0x1A750] =	vst.add.f32.msk $0xffff, v1;
	(pc) =	sbr.rel @p0 .LBB2_6-.Ltmp2, $2  }
0xc2: {  	v1 =	vld.idx.msk [tilespmem:v2+s3+$0x0], $0xffff;
	_ =	sdelay $0x2  }
0xc3: {  	s26 =	sadd.s32 $0x200, s26  }
0xc4: {  	_ =	sdelay $0x2  }
0xc5: {  	[tilespmem:s24+$0x1A760] =	vst.add.f32.msk $0xffff, v1  }
0xc6: {  	v0 =	vld.idx.msk [tilespmem:v0+s3+$0x0], $0xffff;
	_ =	sdelay $0x4  }
0xc7: {  	[tilespmem:s24+$0x1A770] =	vst.add.f32.msk $0xffff, v0  }
0xc8: {  	_ =	swait.ge [sflag:s22], $0x1000  }
0xc9: {  	[sflag:s22] =	ssyncset.done $0x0  }
0xca: {  	s24 =	simm.s32 $0x0;
	[sflag:s22] =	ssyncadd.s32 $0xFFFFF000  }
0xcb: {  	v0 =	vld [tilespmem:s24+$0x1D700];
	_ =	sdelay $0x5  }
0xcc: {  	v1 =	vld [tilespmem:s24+$0x1D710];
	_ =	sdelay $0x1  }
0xcd: {  	v0 =	vld.idx.msk [tilespmem:v0+s3+$0x0], $0xffff;
	_ =	sdelay $0x3  }
0xce: {  	v2 =	vld [tilespmem:s24+$0x1D720]  }
0xcf: {  	[tilespmem:s24+$0x1B700] =	vst.add.f32.msk $0xffff, v0  }
0xd0: {  	v0 =	vld.idx.msk [tilespmem:v1+s3+$0x0], $0xffff;
	_ =	sdelay $0x3  }
0xd1: {  	v1 =	vld [tilespmem:s24+$0x1D730]  }
0xd2: {  	[tilespmem:s24+$0x1B710] =	vst.add.f32.msk $0xffff, v0  }
0xd3: {  	v0 =	vld.idx.msk [tilespmem:v2+s3+$0x0], $0xffff;
	_ =	sdelay $0x3  }
0xd4: {  	v2 =	vld [tilespmem:s24+$0x1D740]  }
0xd5: {  	[tilespmem:s24+$0x1B720] =	vst.add.f32.msk $0xffff, v0  }
0xd6: {  	v0 =	vld.idx.msk [tilespmem:v1+s3+$0x0], $0xffff;
	_ =	sdelay $0x3  }
0xd7: {  	v1 =	vld [tilespmem:s24+$0x1D750]  }
0xd8: {  	[tilespmem:s24+$0x1B730] =	vst.add.f32.msk $0xffff, v0  }
0xd9: {  	v0 =	vld.idx.msk [tilespmem:v2+s3+$0x0], $0xffff;
	_ =	sdelay $0x3  }
0xda: {  	v2 =	vld [tilespmem:s24+$0x1D760]  }
0xdb: {  	[tilespmem:s24+$0x1B740] =	vst.add.f32.msk $0xffff, v0  }
0xdc: {  	v1 =	vld.idx.msk [tilespmem:v1+s3+$0x0], $0xffff;
	_ =	sdelay $0x3  }
0xdd: {  	v0 =	vld [tilespmem:s24+$0x1D770]  }
0xde: {  	[tilespmem:s24+$0x1B750] =	vst.add.f32.msk $0xffff, v1  }
0xdf: {  	v1 =	vld.idx.msk [tilespmem:v2+s3+$0x0], $0xffff;
	_ =	sdelay $0x1  }
0xe0: {  	s25 =	simm.s32 $0x0;
	s26 =	simm.s32 $0x200  }
.LBB2_8:
0xe1: {  	s28 =	sshra.s32 s26, $0x2  }
0xe2: {  	s25 =	sadd.s32 $0x8, s25;
	v2 =	vld [tilespmem:s28+$0x1D700]  }
0xe3: {  	p0 =	slt.u32 s25, $0xF8;
	[tilespmem:s24+$0x1B760] =	vst.add.f32.msk $0xffff, v1  }
0xe4: {  	v0 =	vld.idx.msk [tilespmem:v0+s3+$0x0], $0xffff;
	_ =	sdelay $0x4  }
0xe5: {  	v1 =	vld [tilespmem:s28+$0x1D710]  }
0xe6: {  	[tilespmem:s24+$0x1B770] =	vst.add.f32.msk $0xffff, v0;
	s24 =	smov.u32 s28  }
0xe7: {  	v0 =	vld.idx.msk [tilespmem:v2+s3+$0x0], $0xffff;
	_ =	sdelay $0x4  }
0xe8: {  	v2 =	vld [tilespmem:s24+$0x1D720]  }
0xe9: {  	[tilespmem:s24+$0x1B700] =	vst.add.f32.msk $0xffff, v0  }
0xea: {  	v0 =	vld.idx.msk [tilespmem:v1+s3+$0x0], $0xffff;
	_ =	sdelay $0x4  }
0xeb: {  	v1 =	vld [tilespmem:s24+$0x1D730]  }
0xec: {  	[tilespmem:s24+$0x1B710] =	vst.add.f32.msk $0xffff, v0  }
0xed: {  	v0 =	vld.idx.msk [tilespmem:v2+s3+$0x0], $0xffff;
	_ =	sdelay $0x4  }
0xee: {  	v2 =	vld [tilespmem:s24+$0x1D740]  }
0xef: {  	[tilespmem:s24+$0x1B720] =	vst.add.f32.msk $0xffff, v0  }
0xf0: {  	v0 =	vld.idx.msk [tilespmem:v1+s3+$0x0], $0xffff;
	_ =	sdelay $0x4  }
0xf1: {  	v1 =	vld [tilespmem:s24+$0x1D750]  }
0xf2: {  	[tilespmem:s24+$0x1B730] =	vst.add.f32.msk $0xffff, v0  }
0xf3: {  	v0 =	vld.idx.msk [tilespmem:v2+s3+$0x0], $0xffff;
	_ =	sdelay $0x4  }
0xf4: {  	v2 =	vld [tilespmem:s24+$0x1D760]  }
0xf5: {  	[tilespmem:s24+$0x1B740] =	vst.add.f32.msk $0xffff, v0  }
0xf6: {  	v1 =	vld.idx.msk [tilespmem:v1+s3+$0x0], $0xffff;
	_ =	sdelay $0x4  }
0xf7: {  	v0 =	vld [tilespmem:s24+$0x1D770]  }
.Ltmp3:
0xf8: {  	[tilespmem:s24+$0x1B750] =	vst.add.f32.msk $0xffff, v1;
	(pc) =	sbr.rel @p0 .LBB2_8-.Ltmp3, $2  }
0xf9: {  	v1 =	vld.idx.msk [tilespmem:v2+s3+$0x0], $0xffff;
	_ =	sdelay $0x2  }
0xfa: {  	s26 =	sadd.s32 $0x200, s26  }
0xfb: {  	_ =	sdelay $0x2  }
0xfc: {  	[tilespmem:s24+$0x1B760] =	vst.add.f32.msk $0xffff, v1  }
0xfd: {  	v0 =	vld.idx.msk [tilespmem:v0+s3+$0x0], $0xffff;
	_ =	sdelay $0x4  }
0xfe: {  	[tilespmem:s24+$0x1B770] =	vst.add.f32.msk $0xffff, v0  }
0xff: {  	[hbm4b:s9+s14] =	stream.strided.scatter [tilespmem:s16], [sflag:$0x4], $0x4000, s15, s14, $0x38;
	[tilespmem:$0x1E700] =	vst v63  }
0x100: {  	s31 =	simm.s32 $0x0  }
0x101: {  	[tilespmem:s31], [sflag:$0x3] =	stream.strided.gather [hbm4b:s10+s14], $0x18700, s15, s14, $0x38;
	[tilespmem:$0x1E700] =	vst v63  }
0x102: {  	_ =	swait.ge [sflag:s19], $0x4000  }
0x103: {  	[sflag:s19] =	ssyncset.done $0x0  }
0x104: {  	[sflag:s19] =	ssyncadd.s32 $0xFFFFC000  }
0x105: {  	[tilespmem:s16], [sflag:$0x4] =	stream.strided.gather [hbm4b:s11+s14], $0x4000, s15, s14, $0x38;
	[tilespmem:$0x1E700] =	vst v63  }
0x106: {  	_ = 	snop  }
0x107: {  	[tilespmem:s17], [sflag:$0x1] =	stream.linear.gather [hbm4b:s1+s31], $0x1000, $0x38;
	[tilespmem:$0x1E700] =	vst v63  }
0x108: {  	_ =	swait.ge [sflag:s18], $0x18700  }
0x109: {  	[sflag:s18] =	ssyncset.done $0x0  }
0x10a: {  	[sflag:s18] =	ssyncadd.s32 $0xFFFE7900  }
0x10b: {  	_ =	swait.ge [sflag:s19], $0x4000  }
0x10c: {  	[sflag:s19] =	ssyncset.done $0x0  }
0x10d: {  	[sflag:s19] =	ssyncadd.s32 $0xFFFFC000  }
0x10e: {  	[tilespmem:s20], [sflag:$0x2] =	stream.linear.gather [hbm4b:s6+s31], $0x1000, $0x38;
	[tilespmem:$0x1E700] =	vst v63  }
0x10f: {  	_ =	swait.ge [sflag:s21], $0x1000  }
0x110: {  	[sflag:s21] =	ssyncset.done $0x0  }
0x111: {  	s24 =	simm.s32 $0x0;
	[sflag:s21] =	ssyncadd.s32 $0xFFFFF000  }
0x112: {  	v0 =	vld [tilespmem:s24+$0x1C700];
	_ =	sdelay $0x5  }
0x113: {  	v1 =	vld [tilespmem:s24+$0x1C710];
	_ =	sdelay $0x1  }
0x114: {  	v0 =	vld.idx.msk [tilespmem:v0+s3+$0x0], $0xffff;
	_ =	sdelay $0x3  }
0x115: {  	v2 =	vld [tilespmem:s24+$0x1C720]  }
0x116: {  	[tilespmem:s24+$0x18700] =	vst.add.f32.msk $0xffff, v0  }
0x117: {  	v0 =	vld.idx.msk [tilespmem:v1+s3+$0x0], $0xffff;
	_ =	sdelay $0x3  }
0x118: {  	v1 =	vld [tilespmem:s24+$0x1C730]  }
0x119: {  	[tilespmem:s24+$0x18710] =	vst.add.f32.msk $0xffff, v0  }
0x11a: {  	v0 =	vld.idx.msk [tilespmem:v2+s3+$0x0], $0xffff;
	_ =	sdelay $0x3  }
0x11b: {  	v2 =	vld [tilespmem:s24+$0x1C740]  }
0x11c: {  	[tilespmem:s24+$0x18720] =	vst.add.f32.msk $0xffff, v0  }
0x11d: {  	v0 =	vld.idx.msk [tilespmem:v1+s3+$0x0], $0xffff;
	_ =	sdelay $0x3  }
0x11e: {  	v1 =	vld [tilespmem:s24+$0x1C750]  }
0x11f: {  	[tilespmem:s24+$0x18730] =	vst.add.f32.msk $0xffff, v0  }
0x120: {  	v0 =	vld.idx.msk [tilespmem:v2+s3+$0x0], $0xffff;
	_ =	sdelay $0x3  }
0x121: {  	v2 =	vld [tilespmem:s24+$0x1C760]  }
0x122: {  	[tilespmem:s24+$0x18740] =	vst.add.f32.msk $0xffff, v0  }
0x123: {  	v1 =	vld.idx.msk [tilespmem:v1+s3+$0x0], $0xffff;
	_ =	sdelay $0x3  }
0x124: {  	v0 =	vld [tilespmem:s24+$0x1C770]  }
0x125: {  	[tilespmem:s24+$0x18750] =	vst.add.f32.msk $0xffff, v1  }
0x126: {  	v1 =	vld.idx.msk [tilespmem:v2+s3+$0x0], $0xffff;
	_ =	sdelay $0x1  }
0x127: {  	s25 =	simm.s32 $0x0;
	s26 =	simm.s32 $0x200  }
.LBB2_10:
0x128: {  	s28 =	sshra.s32 s26, $0x2  }
0x129: {  	s25 =	sadd.s32 $0x8, s25;
	v2 =	vld [tilespmem:s28+$0x1C700]  }
0x12a: {  	p0 =	slt.u32 s25, $0xF8;
	[tilespmem:s24+$0x18760] =	vst.add.f32.msk $0xffff, v1  }
0x12b: {  	v0 =	vld.idx.msk [tilespmem:v0+s3+$0x0], $0xffff;
	_ =	sdelay $0x4  }
0x12c: {  	v1 =	vld [tilespmem:s28+$0x1C710]  }
0x12d: {  	[tilespmem:s24+$0x18770] =	vst.add.f32.msk $0xffff, v0;
	s24 =	smov.u32 s28  }
0x12e: {  	v0 =	vld.idx.msk [tilespmem:v2+s3+$0x0], $0xffff;
	_ =	sdelay $0x4  }
0x12f: {  	v2 =	vld [tilespmem:s24+$0x1C720]  }
0x130: {  	[tilespmem:s24+$0x18700] =	vst.add.f32.msk $0xffff, v0  }
0x131: {  	v0 =	vld.idx.msk [tilespmem:v1+s3+$0x0], $0xffff;
	_ =	sdelay $0x4  }
0x132: {  	v1 =	vld [tilespmem:s24+$0x1C730]  }
0x133: {  	[tilespmem:s24+$0x18710] =	vst.add.f32.msk $0xffff, v0  }
0x134: {  	v0 =	vld.idx.msk [tilespmem:v2+s3+$0x0], $0xffff;
	_ =	sdelay $0x4  }
0x135: {  	v2 =	vld [tilespmem:s24+$0x1C740]  }
0x136: {  	[tilespmem:s24+$0x18720] =	vst.add.f32.msk $0xffff, v0  }
0x137: {  	v0 =	vld.idx.msk [tilespmem:v1+s3+$0x0], $0xffff;
	_ =	sdelay $0x4  }
0x138: {  	v1 =	vld [tilespmem:s24+$0x1C750]  }
0x139: {  	[tilespmem:s24+$0x18730] =	vst.add.f32.msk $0xffff, v0  }
0x13a: {  	v0 =	vld.idx.msk [tilespmem:v2+s3+$0x0], $0xffff;
	_ =	sdelay $0x4  }
0x13b: {  	v2 =	vld [tilespmem:s24+$0x1C760]  }
0x13c: {  	[tilespmem:s24+$0x18740] =	vst.add.f32.msk $0xffff, v0  }
0x13d: {  	v1 =	vld.idx.msk [tilespmem:v1+s3+$0x0], $0xffff;
	_ =	sdelay $0x4  }
0x13e: {  	v0 =	vld [tilespmem:s24+$0x1C770]  }
.Ltmp4:
0x13f: {  	[tilespmem:s24+$0x18750] =	vst.add.f32.msk $0xffff, v1;
	(pc) =	sbr.rel @p0 .LBB2_10-.Ltmp4, $2  }
0x140: {  	v1 =	vld.idx.msk [tilespmem:v2+s3+$0x0], $0xffff;
	_ =	sdelay $0x2  }
0x141: {  	s26 =	sadd.s32 $0x200, s26  }
0x142: {  	_ =	sdelay $0x2  }
0x143: {  	[tilespmem:s24+$0x18760] =	vst.add.f32.msk $0xffff, v1  }
0x144: {  	v0 =	vld.idx.msk [tilespmem:v0+s3+$0x0], $0xffff;
	_ =	sdelay $0x4  }
0x145: {  	s31 =	simm.s32 $0x0;
	[tilespmem:s24+$0x18770] =	vst.add.f32.msk $0xffff, v0  }
0x146: {  	[tilespmem:s17], [sflag:$0x1] =	stream.linear.gather [hbm4b:s7+s31], $0x1000, $0x38;
	[tilespmem:$0x1E700] =	vst v63  }
0x147: {  	_ =	swait.ge [sflag:s22], $0x1000  }
0x148: {  	[sflag:s22] =	ssyncset.done $0x0  }
0x149: {  	s24 =	simm.s32 $0x0;
	[sflag:s22] =	ssyncadd.s32 $0xFFFFF000  }
0x14a: {  	v0 =	vld [tilespmem:s24+$0x1D700];
	_ =	sdelay $0x5  }
0x14b: {  	v1 =	vld [tilespmem:s24+$0x1D710];
	_ =	sdelay $0x1  }
0x14c: {  	v0 =	vld.idx.msk [tilespmem:v0+s3+$0x0], $0xffff;
	_ =	sdelay $0x3  }
0x14d: {  	v2 =	vld [tilespmem:s24+$0x1D720]  }
0x14e: {  	[tilespmem:s24+$0x19700] =	vst.add.f32.msk $0xffff, v0  }
0x14f: {  	v0 =	vld.idx.msk [tilespmem:v1+s3+$0x0], $0xffff;
	_ =	sdelay $0x3  }
0x150: {  	v1 =	vld [tilespmem:s24+$0x1D730]  }
0x151: {  	[tilespmem:s24+$0x19710] =	vst.add.f32.msk $0xffff, v0  }
0x152: {  	v0 =	vld.idx.msk [tilespmem:v2+s3+$0x0], $0xffff;
	_ =	sdelay $0x3  }
0x153: {  	v2 =	vld [tilespmem:s24+$0x1D740]  }
0x154: {  	[tilespmem:s24+$0x19720] =	vst.add.f32.msk $0xffff, v0  }
0x155: {  	v0 =	vld.idx.msk [tilespmem:v1+s3+$0x0], $0xffff;
	_ =	sdelay $0x3  }
0x156: {  	v1 =	vld [tilespmem:s24+$0x1D750]  }
0x157: {  	[tilespmem:s24+$0x19730] =	vst.add.f32.msk $0xffff, v0  }
0x158: {  	v0 =	vld.idx.msk [tilespmem:v2+s3+$0x0], $0xffff;
	_ =	sdelay $0x3  }
0x159: {  	v2 =	vld [tilespmem:s24+$0x1D760]  }
0x15a: {  	[tilespmem:s24+$0x19740] =	vst.add.f32.msk $0xffff, v0  }
0x15b: {  	v1 =	vld.idx.msk [tilespmem:v1+s3+$0x0], $0xffff;
	_ =	sdelay $0x3  }
0x15c: {  	v0 =	vld [tilespmem:s24+$0x1D770]  }
0x15d: {  	[tilespmem:s24+$0x19750] =	vst.add.f32.msk $0xffff, v1  }
0x15e: {  	v1 =	vld.idx.msk [tilespmem:v2+s3+$0x0], $0xffff;
	_ =	sdelay $0x1  }
0x15f: {  	s25 =	simm.s32 $0x0;
	s26 =	simm.s32 $0x200  }
.LBB2_12:
0x160: {  	s28 =	sshra.s32 s26, $0x2  }
0x161: {  	s25 =	sadd.s32 $0x8, s25;
	v2 =	vld [tilespmem:s28+$0x1D700]  }
0x162: {  	p0 =	slt.u32 s25, $0xF8;
	[tilespmem:s24+$0x19760] =	vst.add.f32.msk $0xffff, v1  }
0x163: {  	v0 =	vld.idx.msk [tilespmem:v0+s3+$0x0], $0xffff;
	_ =	sdelay $0x4  }
0x164: {  	v1 =	vld [tilespmem:s28+$0x1D710]  }
0x165: {  	[tilespmem:s24+$0x19770] =	vst.add.f32.msk $0xffff, v0;
	s24 =	smov.u32 s28  }
0x166: {  	v0 =	vld.idx.msk [tilespmem:v2+s3+$0x0], $0xffff;
	_ =	sdelay $0x4  }
0x167: {  	v2 =	vld [tilespmem:s24+$0x1D720]  }
0x168: {  	[tilespmem:s24+$0x19700] =	vst.add.f32.msk $0xffff, v0  }
0x169: {  	v0 =	vld.idx.msk [tilespmem:v1+s3+$0x0], $0xffff;
	_ =	sdelay $0x4  }
0x16a: {  	v1 =	vld [tilespmem:s24+$0x1D730]  }
0x16b: {  	[tilespmem:s24+$0x19710] =	vst.add.f32.msk $0xffff, v0  }
0x16c: {  	v0 =	vld.idx.msk [tilespmem:v2+s3+$0x0], $0xffff;
	_ =	sdelay $0x4  }
0x16d: {  	v2 =	vld [tilespmem:s24+$0x1D740]  }
0x16e: {  	[tilespmem:s24+$0x19720] =	vst.add.f32.msk $0xffff, v0  }
0x16f: {  	v0 =	vld.idx.msk [tilespmem:v1+s3+$0x0], $0xffff;
	_ =	sdelay $0x4  }
0x170: {  	v1 =	vld [tilespmem:s24+$0x1D750]  }
0x171: {  	[tilespmem:s24+$0x19730] =	vst.add.f32.msk $0xffff, v0  }
0x172: {  	v0 =	vld.idx.msk [tilespmem:v2+s3+$0x0], $0xffff;
	_ =	sdelay $0x4  }
0x173: {  	v2 =	vld [tilespmem:s24+$0x1D760]  }
0x174: {  	[tilespmem:s24+$0x19740] =	vst.add.f32.msk $0xffff, v0  }
0x175: {  	v1 =	vld.idx.msk [tilespmem:v1+s3+$0x0], $0xffff;
	_ =	sdelay $0x4  }
0x176: {  	v0 =	vld [tilespmem:s24+$0x1D770]  }
.Ltmp5:
0x177: {  	[tilespmem:s24+$0x19750] =	vst.add.f32.msk $0xffff, v1;
	(pc) =	sbr.rel @p0 .LBB2_12-.Ltmp5, $2  }
0x178: {  	v1 =	vld.idx.msk [tilespmem:v2+s3+$0x0], $0xffff;
	_ =	sdelay $0x2  }
0x179: {  	s26 =	sadd.s32 $0x200, s26  }
0x17a: {  	_ =	sdelay $0x2  }
0x17b: {  	[tilespmem:s24+$0x19760] =	vst.add.f32.msk $0xffff, v1  }
0x17c: {  	v0 =	vld.idx.msk [tilespmem:v0+s3+$0x0], $0xffff;
	_ =	sdelay $0x4  }
0x17d: {  	s31 =	simm.s32 $0x0;
	[tilespmem:s24+$0x19770] =	vst.add.f32.msk $0xffff, v0  }
0x17e: {  	[tilespmem:s20], [sflag:$0x2] =	stream.linear.gather [hbm4b:s8+s31], $0x1000, $0x38;
	[tilespmem:$0x1E700] =	vst v63  }
0x17f: {  	_ =	swait.ge [sflag:s21], $0x1000  }
0x180: {  	[sflag:s21] =	ssyncset.done $0x0  }
0x181: {  	s24 =	simm.s32 $0x0;
	[sflag:s21] =	ssyncadd.s32 $0xFFFFF000  }
0x182: {  	v0 =	vld [tilespmem:s24+$0x1C700];
	_ =	sdelay $0x5  }
0x183: {  	v1 =	vld [tilespmem:s24+$0x1C710];
	_ =	sdelay $0x1  }
0x184: {  	v0 =	vld.idx.msk [tilespmem:v0+s3+$0x0], $0xffff;
	_ =	sdelay $0x3  }
0x185: {  	v2 =	vld [tilespmem:s24+$0x1C720]  }
0x186: {  	[tilespmem:s24+$0x1A700] =	vst.add.f32.msk $0xffff, v0  }
0x187: {  	v0 =	vld.idx.msk [tilespmem:v1+s3+$0x0], $0xffff;
	_ =	sdelay $0x3  }
0x188: {  	v1 =	vld [tilespmem:s24+$0x1C730]  }
0x189: {  	[tilespmem:s24+$0x1A710] =	vst.add.f32.msk $0xffff, v0  }
0x18a: {  	v0 =	vld.idx.msk [tilespmem:v2+s3+$0x0], $0xffff;
	_ =	sdelay $0x3  }
0x18b: {  	v2 =	vld [tilespmem:s24+$0x1C740]  }
0x18c: {  	[tilespmem:s24+$0x1A720] =	vst.add.f32.msk $0xffff, v0  }
0x18d: {  	v0 =	vld.idx.msk [tilespmem:v1+s3+$0x0], $0xffff;
	_ =	sdelay $0x3  }
0x18e: {  	v1 =	vld [tilespmem:s24+$0x1C750]  }
0x18f: {  	[tilespmem:s24+$0x1A730] =	vst.add.f32.msk $0xffff, v0  }
0x190: {  	v0 =	vld.idx.msk [tilespmem:v2+s3+$0x0], $0xffff;
	_ =	sdelay $0x3  }
0x191: {  	v2 =	vld [tilespmem:s24+$0x1C760]  }
0x192: {  	[tilespmem:s24+$0x1A740] =	vst.add.f32.msk $0xffff, v0  }
0x193: {  	v1 =	vld.idx.msk [tilespmem:v1+s3+$0x0], $0xffff;
	_ =	sdelay $0x3  }
0x194: {  	v0 =	vld [tilespmem:s24+$0x1C770]  }
0x195: {  	[tilespmem:s24+$0x1A750] =	vst.add.f32.msk $0xffff, v1  }
0x196: {  	v1 =	vld.idx.msk [tilespmem:v2+s3+$0x0], $0xffff;
	_ =	sdelay $0x1  }
0x197: {  	s25 =	simm.s32 $0x0;
	s26 =	simm.s32 $0x200  }
.LBB2_14:
0x198: {  	s28 =	sshra.s32 s26, $0x2  }
0x199: {  	s25 =	sadd.s32 $0x8, s25;
	v2 =	vld [tilespmem:s28+$0x1C700]  }
0x19a: {  	p0 =	slt.u32 s25, $0xF8;
	[tilespmem:s24+$0x1A760] =	vst.add.f32.msk $0xffff, v1  }
0x19b: {  	v0 =	vld.idx.msk [tilespmem:v0+s3+$0x0], $0xffff;
	_ =	sdelay $0x4  }
0x19c: {  	v1 =	vld [tilespmem:s28+$0x1C710]  }
0x19d: {  	[tilespmem:s24+$0x1A770] =	vst.add.f32.msk $0xffff, v0;
	s24 =	smov.u32 s28  }
0x19e: {  	v0 =	vld.idx.msk [tilespmem:v2+s3+$0x0], $0xffff;
	_ =	sdelay $0x4  }
0x19f: {  	v2 =	vld [tilespmem:s24+$0x1C720]  }
0x1a0: {  	[tilespmem:s24+$0x1A700] =	vst.add.f32.msk $0xffff, v0  }
0x1a1: {  	v0 =	vld.idx.msk [tilespmem:v1+s3+$0x0], $0xffff;
	_ =	sdelay $0x4  }
0x1a2: {  	v1 =	vld [tilespmem:s24+$0x1C730]  }
0x1a3: {  	[tilespmem:s24+$0x1A710] =	vst.add.f32.msk $0xffff, v0  }
0x1a4: {  	v0 =	vld.idx.msk [tilespmem:v2+s3+$0x0], $0xffff;
	_ =	sdelay $0x4  }
0x1a5: {  	v2 =	vld [tilespmem:s24+$0x1C740]  }
0x1a6: {  	[tilespmem:s24+$0x1A720] =	vst.add.f32.msk $0xffff, v0  }
0x1a7: {  	v0 =	vld.idx.msk [tilespmem:v1+s3+$0x0], $0xffff;
	_ =	sdelay $0x4  }
0x1a8: {  	v1 =	vld [tilespmem:s24+$0x1C750]  }
0x1a9: {  	[tilespmem:s24+$0x1A730] =	vst.add.f32.msk $0xffff, v0  }
0x1aa: {  	v0 =	vld.idx.msk [tilespmem:v2+s3+$0x0], $0xffff;
	_ =	sdelay $0x4  }
0x1ab: {  	v2 =	vld [tilespmem:s24+$0x1C760]  }
0x1ac: {  	[tilespmem:s24+$0x1A740] =	vst.add.f32.msk $0xffff, v0  }
0x1ad: {  	v1 =	vld.idx.msk [tilespmem:v1+s3+$0x0], $0xffff;
	_ =	sdelay $0x4  }
0x1ae: {  	v0 =	vld [tilespmem:s24+$0x1C770]  }
.Ltmp6:
0x1af: {  	[tilespmem:s24+$0x1A750] =	vst.add.f32.msk $0xffff, v1;
	(pc) =	sbr.rel @p0 .LBB2_14-.Ltmp6, $2  }
0x1b0: {  	v1 =	vld.idx.msk [tilespmem:v2+s3+$0x0], $0xffff;
	_ =	sdelay $0x2  }
0x1b1: {  	s26 =	sadd.s32 $0x200, s26  }
0x1b2: {  	_ =	sdelay $0x2  }
0x1b3: {  	[tilespmem:s24+$0x1A760] =	vst.add.f32.msk $0xffff, v1  }
0x1b4: {  	v0 =	vld.idx.msk [tilespmem:v0+s3+$0x0], $0xffff;
	_ =	sdelay $0x4  }
0x1b5: {  	[tilespmem:s24+$0x1A770] =	vst.add.f32.msk $0xffff, v0  }
0x1b6: {  	_ =	swait.ge [sflag:s22], $0x1000  }
0x1b7: {  	[sflag:s22] =	ssyncset.done $0x0  }
0x1b8: {  	s24 =	simm.s32 $0x0;
	[sflag:s22] =	ssyncadd.s32 $0xFFFFF000  }
0x1b9: {  	v0 =	vld [tilespmem:s24+$0x1D700];
	_ =	sdelay $0x5  }
0x1ba: {  	v1 =	vld [tilespmem:s24+$0x1D710];
	_ =	sdelay $0x1  }
0x1bb: {  	v0 =	vld.idx.msk [tilespmem:v0+s3+$0x0], $0xffff;
	_ =	sdelay $0x3  }
0x1bc: {  	v2 =	vld [tilespmem:s24+$0x1D720]  }
0x1bd: {  	[tilespmem:s24+$0x1B700] =	vst.add.f32.msk $0xffff, v0  }
0x1be: {  	v0 =	vld.idx.msk [tilespmem:v1+s3+$0x0], $0xffff;
	_ =	sdelay $0x3  }
0x1bf: {  	v1 =	vld [tilespmem:s24+$0x1D730]  }
0x1c0: {  	[tilespmem:s24+$0x1B710] =	vst.add.f32.msk $0xffff, v0  }
0x1c1: {  	v0 =	vld.idx.msk [tilespmem:v2+s3+$0x0], $0xffff;
	_ =	sdelay $0x3  }
0x1c2: {  	v2 =	vld [tilespmem:s24+$0x1D740]  }
0x1c3: {  	[tilespmem:s24+$0x1B720] =	vst.add.f32.msk $0xffff, v0  }
0x1c4: {  	v0 =	vld.idx.msk [tilespmem:v1+s3+$0x0], $0xffff;
	_ =	sdelay $0x3  }
0x1c5: {  	v1 =	vld [tilespmem:s24+$0x1D750]  }
0x1c6: {  	[tilespmem:s24+$0x1B730] =	vst.add.f32.msk $0xffff, v0  }
0x1c7: {  	v0 =	vld.idx.msk [tilespmem:v2+s3+$0x0], $0xffff;
	_ =	sdelay $0x3  }
0x1c8: {  	v2 =	vld [tilespmem:s24+$0x1D760]  }
0x1c9: {  	[tilespmem:s24+$0x1B740] =	vst.add.f32.msk $0xffff, v0  }
0x1ca: {  	v1 =	vld.idx.msk [tilespmem:v1+s3+$0x0], $0xffff;
	_ =	sdelay $0x3  }
0x1cb: {  	v0 =	vld [tilespmem:s24+$0x1D770]  }
0x1cc: {  	[tilespmem:s24+$0x1B750] =	vst.add.f32.msk $0xffff, v1  }
0x1cd: {  	v1 =	vld.idx.msk [tilespmem:v2+s3+$0x0], $0xffff;
	_ =	sdelay $0x1  }
0x1ce: {  	s25 =	simm.s32 $0x0;
	s26 =	simm.s32 $0x200  }
.LBB2_16:
0x1cf: {  	s28 =	sshra.s32 s26, $0x2  }
0x1d0: {  	s25 =	sadd.s32 $0x8, s25;
	v2 =	vld [tilespmem:s28+$0x1D700]  }
0x1d1: {  	p0 =	slt.u32 s25, $0xF8;
	[tilespmem:s24+$0x1B760] =	vst.add.f32.msk $0xffff, v1  }
0x1d2: {  	v0 =	vld.idx.msk [tilespmem:v0+s3+$0x0], $0xffff;
	_ =	sdelay $0x4  }
0x1d3: {  	v1 =	vld [tilespmem:s28+$0x1D710]  }
0x1d4: {  	[tilespmem:s24+$0x1B770] =	vst.add.f32.msk $0xffff, v0;
	s24 =	smov.u32 s28  }
0x1d5: {  	v0 =	vld.idx.msk [tilespmem:v2+s3+$0x0], $0xffff;
	_ =	sdelay $0x4  }
0x1d6: {  	v2 =	vld [tilespmem:s24+$0x1D720]  }
0x1d7: {  	[tilespmem:s24+$0x1B700] =	vst.add.f32.msk $0xffff, v0  }
0x1d8: {  	v0 =	vld.idx.msk [tilespmem:v1+s3+$0x0], $0xffff;
	_ =	sdelay $0x4  }
0x1d9: {  	v1 =	vld [tilespmem:s24+$0x1D730]  }
0x1da: {  	[tilespmem:s24+$0x1B710] =	vst.add.f32.msk $0xffff, v0  }
0x1db: {  	v0 =	vld.idx.msk [tilespmem:v2+s3+$0x0], $0xffff;
	_ =	sdelay $0x4  }
0x1dc: {  	v2 =	vld [tilespmem:s24+$0x1D740]  }
0x1dd: {  	[tilespmem:s24+$0x1B720] =	vst.add.f32.msk $0xffff, v0  }
0x1de: {  	v0 =	vld.idx.msk [tilespmem:v1+s3+$0x0], $0xffff;
	_ =	sdelay $0x4  }
0x1df: {  	v1 =	vld [tilespmem:s24+$0x1D750]  }
0x1e0: {  	[tilespmem:s24+$0x1B730] =	vst.add.f32.msk $0xffff, v0  }
0x1e1: {  	v0 =	vld.idx.msk [tilespmem:v2+s3+$0x0], $0xffff;
	_ =	sdelay $0x4  }
0x1e2: {  	v2 =	vld [tilespmem:s24+$0x1D760]  }
0x1e3: {  	[tilespmem:s24+$0x1B740] =	vst.add.f32.msk $0xffff, v0  }
0x1e4: {  	v1 =	vld.idx.msk [tilespmem:v1+s3+$0x0], $0xffff;
	_ =	sdelay $0x4  }
0x1e5: {  	v0 =	vld [tilespmem:s24+$0x1D770]  }
.Ltmp7:
0x1e6: {  	[tilespmem:s24+$0x1B750] =	vst.add.f32.msk $0xffff, v1;
	(pc) =	sbr.rel @p0 .LBB2_16-.Ltmp7, $2  }
0x1e7: {  	v1 =	vld.idx.msk [tilespmem:v2+s3+$0x0], $0xffff;
	_ =	sdelay $0x2  }
0x1e8: {  	s26 =	sadd.s32 $0x200, s26  }
0x1e9: {  	_ =	sdelay $0x2  }
0x1ea: {  	[tilespmem:s24+$0x1B760] =	vst.add.f32.msk $0xffff, v1  }
0x1eb: {  	v0 =	vld.idx.msk [tilespmem:v0+s3+$0x0], $0xffff;
	_ =	sdelay $0x2  }
0x1ec: {  	s23 =	sadd.s32 $0x1, s23  }
0x1ed: {  	p0 =	sne.s32 s23, s13  }
.Ltmp8:
0x1ee: {  	[tilespmem:s24+$0x1B770] =	vst.add.f32.msk $0xffff, v0;
	(pc) =	sbr.rel @p0 .LBB2_1-.Ltmp8, $4  }
0x1ef: {  	[hbm4b:s12+s14] =	stream.strided.scatter [tilespmem:s16], [sflag:$0x4], $0x4000, s15, s14, $0x38;
	[tilespmem:$0x1E700] =	vst v63  }
0x1f0: {  	_ =	swait.ge [sflag:s19], $0x4000  }
0x1f1: {  	[sflag:s19] =	ssyncset.done $0x0  }
0x1f2: {  	[sflag:s19] =	ssyncadd.s32 $0xFFFFC000  }
0x1f3: {  	_ =	sfence.sel $0x180000  }
0x1f4: {  	[bflag:$0x0] =	sbarrier.arrive $0xFFFF  }
0x1f5: {  	p0 =	sne.s32 s2, $0x0;
	_ =	strace $0x90000047  }
0x1f6: {  	s0 =	sadd.s32 @!p0 $0x100000, s0;
	[bflag:$0x2] =	sbarrier.arrive $0xFFFF  }
0x1f7: {  	[sflag:s0] =	ssyncadd.tile.s32 @!p0 $0x1;
	_ =	shalt  }
.Lfunc_end2:
_tile_overlayer_lowered:
.L_overlay_start_2:
0x1f8: {  	(tag) =	ssettag $0x2  }
0x1f9: {  	s0 =	rddreg [dreg:$0x0];
	s2 =	stileid.u32  }
0x1fa: {  	s1 =	rddreg [dreg:$0x1];
	p0 =	sne.s32 s2, $0x0  }
0x1fb: {  	s3 =	rddreg [dreg:$0x2];
	[bflag:$0x3] =	sbarrier.arrive $0xFFFF;
	s2 =	simm.s32 @!p0 $0x1C05  }
0x1fc: {  	[timem:s3], [sflag:s2] =	dma.local @!p0 [hbm:s0], s1  }
0x1fd: {  	s0 =	simm.s32 @!p0 $0x5  }
0x1fe: {  	_ =	swait.ge @!p0 [sflag:s0], s1  }
0x1ff: {  	s1 =	ssub.s32 @!p0 $0x0, s1;
	[sflag:s0] =	ssyncset.done @!p0 $0x0  }
0x200: {  	[sflag:s0] =	ssyncadd.s32 @!p0 s1  }
0x201: {  	[bflag:$0x3] =	sbarrier.arrive $0xFFFF  }
0x202: {  	_ =	shalt  }

</sc_bundles>
